<compile_context>
chip_gen: v7x
topology: tpu7x:2x2x1
jax: 0.10.2.dev20260603
libtpu: 0.0.44.dev20260713+nightly
codegen_flags: <defaults>
</compile_context>

<pallas_src>
import functools

import jax
import jax.numpy as jnp
from jax import lax
from jax.experimental import pallas as pl
from jax.experimental.pallas import tpu as pltpu
from jax.experimental.pallas import tpu_sc as plsc

_NC, _NS = 2, 16
_NW = _NC * _NS
_K = 32768
_ROWS_TOTAL = 1024
_ROWS_PER_W = _ROWS_TOTAL // _NW
_SEG = _K // _NS
_L = 16


@functools.partial(
    pl.kernel,
    mesh=plsc.VectorSubcoreMesh(core_axis_name="c", subcore_axis_name="s"),
    out_type=jax.ShapeDtypeStruct((_ROWS_TOTAL, _K), jnp.float32),
    scratch_types=[
        pltpu.VMEM((_SEG,), jnp.float32),
        pltpu.VMEM((_K,), jnp.float32),
        pltpu.VMEM_SHARED((_K,), jnp.float32),
        pltpu.SemaphoreType.DMA,
    ],
)
def _sc_broadcast(mask_hbm, out_hbm, chunk_v, full_v, shared, sem):
    c = lax.axis_index("c")
    s = lax.axis_index("s")
    seg_base = s * _SEG
    pltpu.sync_copy(mask_hbm.at[pl.ds(seg_base, _SEG)], chunk_v)

    def body(i, carry):
        v = chunk_v[pl.ds(i * _L, _L)]
        chunk_v[pl.ds(i * _L, _L)] = 1.0 / (1.0 + jnp.exp(-v))
        return carry

    lax.fori_loop(0, _SEG // _L, body, 0)

    pltpu.sync_copy(chunk_v, shared.at[pl.ds(seg_base, _SEG)])
    plsc.subcore_barrier()
    pltpu.sync_copy(shared, full_v)

    base = (c * _NS + s) * _ROWS_PER_W
    copies = [
        pltpu.async_copy(full_v, out_hbm.at[base + r], sem)
        for r in range(_ROWS_PER_W)
    ]
    for cp in copies:
        cp.wait()


def kernel(x, mask):
    out = _sc_broadcast(mask.reshape(_K))
    return out.reshape(x.shape)

# --- scband reference (transcript-rebuilt; emitter-appended) ---
"""Pipeline reference for scband-fixed-mask-91276644974948 (READ-ONLY COPY).

The authoritative reference and input builder live on the scoring server;
editing this copy changes nothing except your own understanding.
"""

import jax, jax.numpy as jnp
import numpy as np


def setup_inputs(seed: int = 0) -> dict:
    key = jax.random.key(seed)
    k1, = jax.random.split(key, 1)
    x = jax.random.normal(k1, (128, 8, 32768), dtype=jnp.float32)
    # learned parameter: mask initialized to zeros - 10 per module __init__
    mask = jnp.zeros((1, 1, 32768), dtype=jnp.float32) - 10.0
    return {"x": x, "mask": mask}


def reference(x, mask):
    # FixedMask.forward in eval mode (dropmask_count=0, dropout_rate=0.0):
    #   logits = self.mask.expand(*x.size())
    #   mask = sigmoid(logits)
    logits = jnp.broadcast_to(mask, x.shape)
    out = jax.nn.sigmoid(logits)
    return out

if __name__ == "__main__":
    import jax
    _d = setup_inputs()
    print(jax.jit(kernel)(*tuple(_d.values())))

</pallas_src>

<mosaic_0001>
#map = affine_map<(d0, d1) -> (0)>
#map1 = affine_map<(d0, d1) -> (0, 0)>
module attributes {stable_mosaic.version = 14 : i64} {
  func.func @_sc_broadcast(%arg0: i32, %arg1: i32, %arg2: memref<32768xf32, #tpu.memory_space<hbm>>, %arg3: memref<1024x32768xf32, #tpu.memory_space<hbm>>, %arg4: memref<2048xf32, #tpu.memory_space<vmem>>, %arg5: memref<32768xf32, #tpu.memory_space<vmem>>, %arg6: memref<32768xf32, #tpu.memory_space<vmem_shared>>, %arg7: memref<!tpu.dma_semaphore, #tpu.memory_space<semaphore_mem>>) attributes {dimension_semantics = [#tpu.dimension_semantics<core_parallel>, #tpu.dimension_semantics<subcore_parallel>], iteration_bounds = array<i64: 2, 16>, scalar_prefetch = 0 : i64, scratch_operands = 4 : i64, tpu.core_type = #tpu.core_type<sc_vector_subcore>, window_params = [{transform_indices = #map}, {transform_indices = #map1}]} {
    %mul3A = arith.constant 2048 : i32
    %mul3A_0 = arith.muli %arg1, %mul3A : i32
    "tpu.region"() ({
      %run_scoped3A = tpu.sem_alloc : memref<!tpu.dma_semaphore, #tpu.memory_space<semaphore_mem>>
      %dma_start3A_456 = tpu.memref_slice %arg2[%mul3A_0] : memref<32768xf32, #tpu.memory_space<hbm>> -> memref<2048xf32, #tpu.memory_space<hbm>>
      %dma_start3A_457 = tpu.memref_slice %arg2[%mul3A_0] : memref<32768xf32, #tpu.memory_space<hbm>> -> memref<2048xf32, #tpu.memory_space<hbm>>
      tpu.enqueue_dma source(%dma_start3A_457 : memref<2048xf32, #tpu.memory_space<hbm>>) target(%arg4 : memref<2048xf32, #tpu.memory_space<vmem>>) target_semaphore(%run_scoped3A : memref<!tpu.dma_semaphore, #tpu.memory_space<semaphore_mem>>)
      %dma_wait3A_458 = tpu.memref_slice %arg2[%mul3A_0] : memref<32768xf32, #tpu.memory_space<hbm>> -> memref<2048xf32, #tpu.memory_space<hbm>>
      %dma_wait3A_459 = tpu.memref_slice %arg2[%mul3A_0] : memref<32768xf32, #tpu.memory_space<hbm>> -> memref<2048xf32, #tpu.memory_space<hbm>>
      tpu.wait_dma2 semaphore(%run_scoped3A : memref<!tpu.dma_semaphore, #tpu.memory_space<semaphore_mem>>) src(%dma_wait3A_459 : memref<2048xf32, #tpu.memory_space<hbm>>) dst(%arg4 : memref<2048xf32, #tpu.memory_space<vmem>>)
      tpu.yield
    }) : () -> ()
    %scan3A = arith.constant 0 : i32
    %scan3A_1 = arith.constant 0 : i32
    %scan3A_2 = arith.constant 128 : i32
    %scan3A_3 = arith.addi %scan3A_1, %scan3A_2 : i32
    %scan3A_4 = arith.constant 1 : i32
    scf.for %scan3A_456 = %scan3A_1 to %scan3A_3 step %scan3A_4  : i32 {
      %mul3A_457 = arith.constant 16 : i32
      %mul3A_458 = arith.muli %scan3A_456, %mul3A_457 : i32
      %get3A = arith.index_cast %mul3A_458 : i32 to index
      %get3A_459 = tpu.vector_load %arg4[%get3A] {strides = array<i32>} : memref<2048xf32, #tpu.memory_space<vmem>>, vector<16xf32>,
      %get3A_460 = vector.shape_cast %get3A_459 : vector<16xf32> to vector<16xf32>
      %neg3A = arith.constant 0.000000e+00 : f32
      %neg3A_461 = vector.broadcast %neg3A : f32 to vector<16xf32>
      %neg3A_462 = arith.subf %neg3A_461, %get3A_460 : vector<16xf32>
      %exp3A = math.exp %neg3A_462 : vector<16xf32>
      %add3A_463 = arith.constant 1.000000e+00 : f32
      %add3A_464 = vector.broadcast %add3A_463 : f32 to vector<16xf32>
      %add3A_465 = arith.addf %add3A_464, %exp3A : vector<16xf32>
      %div3A = arith.constant 1.000000e+00 : f32
      %div3A_466 = vector.broadcast %div3A : f32 to vector<16xf32>
      %div3A_467 = arith.divf %div3A_466, %add3A_465 : vector<16xf32>
      %mul3A_468 = arith.constant 16 : i32
      %mul3A_469 = arith.muli %scan3A_456, %mul3A_468 : i32
      %swap3A = arith.index_cast %mul3A_469 : i32 to index
      %swap3A_470 = tpu.vector_load %arg4[%swap3A] {strides = array<i32>} : memref<2048xf32, #tpu.memory_space<vmem>>, vector<16xf32>,
      %swap3A_471 = vector.shape_cast %swap3A_470 : vector<16xf32> to vector<16xf32>
      %swap3A_472 = vector.shape_cast %div3A_467 : vector<16xf32> to vector<16xf32>
      tpu.vector_store %arg4[%swap3A], %swap3A_472 {strides = array<i32>} : memref<2048xf32, #tpu.memory_space<vmem>>, vector<16xf32>,
    }
    %scan3A_5 = arith.constant 128 : i32
    "tpu.region"() ({
      %run_scoped3A = tpu.sem_alloc : memref<!tpu.dma_semaphore, #tpu.memory_space<semaphore_mem>>
      %dma_start3A_456 = tpu.memref_slice %arg6[%mul3A_0] : memref<32768xf32, #tpu.memory_space<vmem_shared>> -> memref<2048xf32, #tpu.memory_space<vmem_shared>>
      %dma_start3A_457 = tpu.memref_slice %arg6[%mul3A_0] : memref<32768xf32, #tpu.memory_space<vmem_shared>> -> memref<2048xf32, #tpu.memory_space<vmem_shared>>
      tpu.enqueue_dma source(%arg4 : memref<2048xf32, #tpu.memory_space<vmem>>) target(%dma_start3A_457 : memref<2048xf32, #tpu.memory_space<vmem_shared>>) target_semaphore(%run_scoped3A : memref<!tpu.dma_semaphore, #tpu.memory_space<semaphore_mem>>)
      %dma_wait3A_458 = tpu.memref_slice %arg6[%mul3A_0] : memref<32768xf32, #tpu.memory_space<vmem_shared>> -> memref<2048xf32, #tpu.memory_space<vmem_shared>>
      %dma_wait3A_459 = tpu.memref_slice %arg6[%mul3A_0] : memref<32768xf32, #tpu.memory_space<vmem_shared>> -> memref<2048xf32, #tpu.memory_space<vmem_shared>>
      tpu.wait_dma2 semaphore(%run_scoped3A : memref<!tpu.dma_semaphore, #tpu.memory_space<semaphore_mem>>) src(%arg4 : memref<2048xf32, #tpu.memory_space<vmem>>) dst(%dma_wait3A_459 : memref<2048xf32, #tpu.memory_space<vmem_shared>>)
      tpu.yield
    }) : () -> ()
    %barrier3A = arith.constant 0 : index
    tpu.barrier barrier_id(%barrier3A)
    "tpu.region"() ({
      %run_scoped3A = tpu.sem_alloc : memref<!tpu.dma_semaphore, #tpu.memory_space<semaphore_mem>>
      tpu.enqueue_dma source(%arg6 : memref<32768xf32, #tpu.memory_space<vmem_shared>>) target(%arg5 : memref<32768xf32, #tpu.memory_space<vmem>>) target_semaphore(%run_scoped3A : memref<!tpu.dma_semaphore, #tpu.memory_space<semaphore_mem>>)
      tpu.wait_dma2 semaphore(%run_scoped3A : memref<!tpu.dma_semaphore, #tpu.memory_space<semaphore_mem>>) src(%arg6 : memref<32768xf32, #tpu.memory_space<vmem_shared>>) dst(%arg5 : memref<32768xf32, #tpu.memory_space<vmem>>)
      tpu.yield
    }) : () -> ()
    %mul3A_6 = arith.constant 16 : i32
    %mul3A_7 = arith.muli %arg0, %mul3A_6 : i32
    %add3A = arith.addi %mul3A_7, %arg1 : i32
    %mul3A_8 = arith.constant 32 : i32
    %mul3A_9 = arith.muli %add3A, %mul3A_8 : i32
    %add3A_10 = arith.constant 0 : i32
    %add3A_11 = arith.addi %mul3A_9, %add3A_10 : i32
    %dma_start3A = arith.constant 0 : i32
    %dma_start3A_12 = tpu.memref_slice %arg3[%add3A_11, %dma_start3A] : memref<1024x32768xf32, #tpu.memory_space<hbm>> -> memref<1x32768xf32, #tpu.memory_space<hbm>>
    %dma_start3A_13 = tpu.memref_squeeze %dma_start3A_12 : memref<1x32768xf32, #tpu.memory_space<hbm>> -> memref<32768xf32, #tpu.memory_space<hbm>>
    %dma_start3A_14 = arith.constant 0 : i32
    %dma_start3A_15 = tpu.memref_slice %arg3[%add3A_11, %dma_start3A_14] : memref<1024x32768xf32, #tpu.memory_space<hbm>> -> memref<1x32768xf32, #tpu.memory_space<hbm>>
    %dma_start3A_16 = tpu.memref_squeeze %dma_start3A_15 : memref<1x32768xf32, #tpu.memory_space<hbm>> -> memref<32768xf32, #tpu.memory_space<hbm>>
    tpu.enqueue_dma source(%arg5 : memref<32768xf32, #tpu.memory_space<vmem>>) target(%dma_start3A_16 : memref<32768xf32, #tpu.memory_space<hbm>>) target_semaphore(%arg7 : memref<!tpu.dma_semaphore, #tpu.memory_space<semaphore_mem>>)
    %add3A_17 = arith.constant 1 : i32
    %add3A_18 = arith.addi %mul3A_9, %add3A_17 : i32
    %dma_start3A_19 = arith.constant 0 : i32
    %dma_start3A_20 = tpu.memref_slice %arg3[%add3A_18, %dma_start3A_19] : memref<1024x32768xf32, #tpu.memory_space<hbm>> -> memref<1x32768xf32, #tpu.memory_space<hbm>>
    %dma_start3A_21 = tpu.memref_squeeze %dma_start3A_20 : memref<1x32768xf32, #tpu.memory_space<hbm>> -> memref<32768xf32, #tpu.memory_space<hbm>>
    %dma_start3A_22 = arith.constant 0 : i32
    %dma_start3A_23 = tpu.memref_slice %arg3[%add3A_18, %dma_start3A_22] : memref<1024x32768xf32, #tpu.memory_space<hbm>> -> memref<1x32768xf32, #tpu.memory_space<hbm>>
    %dma_start3A_24 = tpu.memref_squeeze %dma_start3A_23 : memref<1x32768xf32, #tpu.memory_space<hbm>> -> memref<32768xf32, #tpu.memory_space<hbm>>
    tpu.enqueue_dma source(%arg5 : memref<32768xf32, #tpu.memory_space<vmem>>) target(%dma_start3A_24 : memref<32768xf32, #tpu.memory_space<hbm>>) target_semaphore(%arg7 : memref<!tpu.dma_semaphore, #tpu.memory_space<semaphore_mem>>)
    %add3A_25 = arith.constant 2 : i32
    %add3A_26 = arith.addi %mul3A_9, %add3A_25 : i32
    %dma_start3A_27 = arith.constant 0 : i32
    %dma_start3A_28 = tpu.memref_slice %arg3[%add3A_26, %dma_start3A_27] : memref<1024x32768xf32, #tpu.memory_space<hbm>> -> memref<1x32768xf32, #tpu.memory_space<hbm>>
    %dma_start3A_29 = tpu.memref_squeeze %dma_start3A_28 : memref<1x32768xf32, #tpu.memory_space<hbm>> -> memref<32768xf32, #tpu.memory_space<hbm>>
    %dma_start3A_30 = arith.constant 0 : i32
    %dma_start3A_31 = tpu.memref_slice %arg3[%add3A_26, %dma_start3A_30] : memref<1024x32768xf32, #tpu.memory_space<hbm>> -> memref<1x32768xf32, #tpu.memory_space<hbm>>
    %dma_start3A_32 = tpu.memref_squeeze %dma_start3A_31 : memref<1x32768xf32, #tpu.memory_space<hbm>> -> memref<32768xf32, #tpu.memory_space<hbm>>
    tpu.enqueue_dma source(%arg5 : memref<32768xf32, #tpu.memory_space<vmem>>) target(%dma_start3A_32 : memref<32768xf32, #tpu.memory_space<hbm>>) target_semaphore(%arg7 : memref<!tpu.dma_semaphore, #tpu.memory_space<semaphore_mem>>)
    %add3A_33 = arith.constant 3 : i32
    %add3A_34 = arith.addi %mul3A_9, %add3A_33 : i32
    %dma_start3A_35 = arith.constant 0 : i32
    %dma_start3A_36 = tpu.memref_slice %arg3[%add3A_34, %dma_start3A_35] : memref<1024x32768xf32, #tpu.memory_space<hbm>> -> memref<1x32768xf32, #tpu.memory_space<hbm>>
    %dma_start3A_37 = tpu.memref_squeeze %dma_start3A_36 : memref<1x32768xf32, #tpu.memory_space<hbm>> -> memref<32768xf32, #tpu.memory_space<hbm>>
    %dma_start3A_38 = arith.constant 0 : i32
    %dma_start3A_39 = tpu.memref_slice %arg3[%add3A_34, %dma_start3A_38] : memref<1024x32768xf32, #tpu.memory_space<hbm>> -> memref<1x32768xf32, #tpu.memory_space<hbm>>
    %dma_start3A_40 = tpu.memref_squeeze %dma_start3A_39 : memref<1x32768xf32, #tpu.memory_space<hbm>> -> memref<32768xf32, #tpu.memory_space<hbm>>
    tpu.enqueue_dma source(%arg5 : memref<32768xf32, #tpu.memory_space<vmem>>) target(%dma_start3A_40 : memref<32768xf32, #tpu.memory_space<hbm>>) target_semaphore(%arg7 : memref<!tpu.dma_semaphore, #tpu.memory_space<semaphore_mem>>)
    %add3A_41 = arith.constant 4 : i32
    %add3A_42 = arith.addi %mul3A_9, %add3A_41 : i32
    %dma_start3A_43 = arith.constant 0 : i32
    %dma_start3A_44 = tpu.memref_slice %arg3[%add3A_42, %dma_start3A_43] : memref<1024x32768xf32, #tpu.memory_space<hbm>> -> memref<1x32768xf32, #tpu.memory_space<hbm>>
    %dma_start3A_45 = tpu.memref_squeeze %dma_start3A_44 : memref<1x32768xf32, #tpu.memory_space<hbm>> -> memref<32768xf32, #tpu.memory_space<hbm>>
    %dma_start3A_46 = arith.constant 0 : i32
    %dma_start3A_47 = tpu.memref_slice %arg3[%add3A_42, %dma_start3A_46] : memref<1024x32768xf32, #tpu.memory_space<hbm>> -> memref<1x32768xf32, #tpu.memory_space<hbm>>
    %dma_start3A_48 = tpu.memref_squeeze %dma_start3A_47 : memref<1x32768xf32, #tpu.memory_space<hbm>> -> memref<32768xf32, #tpu.memory_space<hbm>>
    tpu.enqueue_dma source(%arg5 : memref<32768xf32, #tpu.memory_space<vmem>>) target(%dma_start3A_48 : memref<32768xf32, #tpu.memory_space<hbm>>) target_semaphore(%arg7 : memref<!tpu.dma_semaphore, #tpu.memory_space<semaphore_mem>>)
    %add3A_49 = arith.constant 5 : i32
    %add3A_50 = arith.addi %mul3A_9, %add3A_49 : i32
    %dma_start3A_51 = arith.constant 0 : i32
    %dma_start3A_52 = tpu.memref_slice %arg3[%add3A_50, %dma_start3A_51] : memref<1024x32768xf32, #tpu.memory_space<hbm>> -> memref<1x32768xf32, #tpu.memory_space<hbm>>
    %dma_start3A_53 = tpu.memref_squeeze %dma_start3A_52 : memref<1x32768xf32, #tpu.memory_space<hbm>> -> memref<32768xf32, #tpu.memory_space<hbm>>
    %dma_start3A_54 = arith.constant 0 : i32
    %dma_start3A_55 = tpu.memref_slice %arg3[%add3A_50, %dma_start3A_54] : memref<1024x32768xf32, #tpu.memory_space<hbm>> -> memref<1x32768xf32, #tpu.memory_space<hbm>>
    %dma_start3A_56 = tpu.memref_squeeze %dma_start3A_55 : memref<1x32768xf32, #tpu.memory_space<hbm>> -> memref<32768xf32, #tpu.memory_space<hbm>>
    tpu.enqueue_dma source(%arg5 : memref<32768xf32, #tpu.memory_space<vmem>>) target(%dma_start3A_56 : memref<32768xf32, #tpu.memory_space<hbm>>) target_semaphore(%arg7 : memref<!tpu.dma_semaphore, #tpu.memory_space<semaphore_mem>>)
    %add3A_57 = arith.constant 6 : i32
    %add3A_58 = arith.addi %mul3A_9, %add3A_57 : i32
    %dma_start3A_59 = arith.constant 0 : i32
    %dma_start3A_60 = tpu.memref_slice %arg3[%add3A_58, %dma_start3A_59] : memref<1024x32768xf32, #tpu.memory_space<hbm>> -> memref<1x32768xf32, #tpu.memory_space<hbm>>
    %dma_start3A_61 = tpu.memref_squeeze %dma_start3A_60 : memref<1x32768xf32, #tpu.memory_space<hbm>> -> memref<32768xf32, #tpu.memory_space<hbm>>
    %dma_start3A_62 = arith.constant 0 : i32
    %dma_start3A_63 = tpu.memref_slice %arg3[%add3A_58, %dma_start3A_62] : memref<1024x32768xf32, #tpu.memory_space<hbm>> -> memref<1x32768xf32, #tpu.memory_space<hbm>>
    %dma_start3A_64 = tpu.memref_squeeze %dma_start3A_63 : memref<1x32768xf32, #tpu.memory_space<hbm>> -> memref<32768xf32, #tpu.memory_space<hbm>>
    tpu.enqueue_dma source(%arg5 : memref<32768xf32, #tpu.memory_space<vmem>>) target(%dma_start3A_64 : memref<32768xf32, #tpu.memory_space<hbm>>) target_semaphore(%arg7 : memref<!tpu.dma_semaphore, #tpu.memory_space<semaphore_mem>>)
    %add3A_65 = arith.constant 7 : i32
    %add3A_66 = arith.addi %mul3A_9, %add3A_65 : i32
    %dma_start3A_67 = arith.constant 0 : i32
    %dma_start3A_68 = tpu.memref_slice %arg3[%add3A_66, %dma_start3A_67] : memref<1024x32768xf32, #tpu.memory_space<hbm>> -> memref<1x32768xf32, #tpu.memory_space<hbm>>
    %dma_start3A_69 = tpu.memref_squeeze %dma_start3A_68 : memref<1x32768xf32, #tpu.memory_space<hbm>> -> memref<32768xf32, #tpu.memory_space<hbm>>
    %dma_start3A_70 = arith.constant 0 : i32
    %dma_start3A_71 = tpu.memref_slice %arg3[%add3A_66, %dma_start3A_70] : memref<1024x32768xf32, #tpu.memory_space<hbm>> -> memref<1x32768xf32, #tpu.memory_space<hbm>>
    %dma_start3A_72 = tpu.memref_squeeze %dma_start3A_71 : memref<1x32768xf32, #tpu.memory_space<hbm>> -> memref<32768xf32, #tpu.memory_space<hbm>>
    tpu.enqueue_dma source(%arg5 : memref<32768xf32, #tpu.memory_space<vmem>>) target(%dma_start3A_72 : memref<32768xf32, #tpu.memory_space<hbm>>) target_semaphore(%arg7 : memref<!tpu.dma_semaphore, #tpu.memory_space<semaphore_mem>>)
    %add3A_73 = arith.constant 8 : i32
    %add3A_74 = arith.addi %mul3A_9, %add3A_73 : i32
    %dma_start3A_75 = arith.constant 0 : i32
    %dma_start3A_76 = tpu.memref_slice %arg3[%add3A_74, %dma_start3A_75] : memref<1024x32768xf32, #tpu.memory_space<hbm>> -> memref<1x32768xf32, #tpu.memory_space<hbm>>
    %dma_start3A_77 = tpu.memref_squeeze %dma_start3A_76 : memref<1x32768xf32, #tpu.memory_space<hbm>> -> memref<32768xf32, #tpu.memory_space<hbm>>
    %dma_start3A_78 = arith.constant 0 : i32
    %dma_start3A_79 = tpu.memref_slice %arg3[%add3A_74, %dma_start3A_78] : memref<1024x32768xf32, #tpu.memory_space<hbm>> -> memref<1x32768xf32, #tpu.memory_space<hbm>>
    %dma_start3A_80 = tpu.memref_squeeze %dma_start3A_79 : memref<1x32768xf32, #tpu.memory_space<hbm>> -> memref<32768xf32, #tpu.memory_space<hbm>>
    tpu.enqueue_dma source(%arg5 : memref<32768xf32, #tpu.memory_space<vmem>>) target(%dma_start3A_80 : memref<32768xf32, #tpu.memory_space<hbm>>) target_semaphore(%arg7 : memref<!tpu.dma_semaphore, #tpu.memory_space<semaphore_mem>>)
    %add3A_81 = arith.constant 9 : i32
    %add3A_82 = arith.addi %mul3A_9, %add3A_81 : i32
    %dma_start3A_83 = arith.constant 0 : i32
    %dma_start3A_84 = tpu.memref_slice %arg3[%add3A_82, %dma_start3A_83] : memref<1024x32768xf32, #tpu.memory_space<hbm>> -> memref<1x32768xf32, #tpu.memory_space<hbm>>
    %dma_start3A_85 = tpu.memref_squeeze %dma_start3A_84 : memref<1x32768xf32, #tpu.memory_space<hbm>> -> memref<32768xf32, #tpu.memory_space<hbm>>
    %dma_start3A_86 = arith.constant 0 : i32
    %dma_start3A_87 = tpu.memref_slice %arg3[%add3A_82, %dma_start3A_86] : memref<1024x32768xf32, #tpu.memory_space<hbm>> -> memref<1x32768xf32, #tpu.memory_space<hbm>>
    %dma_start3A_88 = tpu.memref_squeeze %dma_start3A_87 : memref<1x32768xf32, #tpu.memory_space<hbm>> -> memref<32768xf32, #tpu.memory_space<hbm>>
    tpu.enqueue_dma source(%arg5 : memref<32768xf32, #tpu.memory_space<vmem>>) target(%dma_start3A_88 : memref<32768xf32, #tpu.memory_space<hbm>>) target_semaphore(%arg7 : memref<!tpu.dma_semaphore, #tpu.memory_space<semaphore_mem>>)
    %add3A_89 = arith.constant 10 : i32
    %add3A_90 = arith.addi %mul3A_9, %add3A_89 : i32
    %dma_start3A_91 = arith.constant 0 : i32
    %dma_start3A_92 = tpu.memref_slice %arg3[%add3A_90, %dma_start3A_91] : memref<1024x32768xf32, #tpu.memory_space<hbm>> -> memref<1x32768xf32, #tpu.memory_space<hbm>>
    %dma_start3A_93 = tpu.memref_squeeze %dma_start3A_92 : memref<1x32768xf32, #tpu.memory_space<hbm>> -> memref<32768xf32, #tpu.memory_space<hbm>>
    %dma_start3A_94 = arith.constant 0 : i32
    %dma_start3A_95 = tpu.memref_slice %arg3[%add3A_90, %dma_start3A_94] : memref<1024x32768xf32, #tpu.memory_space<hbm>> -> memref<1x32768xf32, #tpu.memory_space<hbm>>
    %dma_start3A_96 = tpu.memref_squeeze %dma_start3A_95 : memref<1x32768xf32, #tpu.memory_space<hbm>> -> memref<32768xf32, #tpu.memory_space<hbm>>
    tpu.enqueue_dma source(%arg5 : memref<32768xf32, #tpu.memory_space<vmem>>) target(%dma_start3A_96 : memref<32768xf32, #tpu.memory_space<hbm>>) target_semaphore(%arg7 : memref<!tpu.dma_semaphore, #tpu.memory_space<semaphore_mem>>)
    %add3A_97 = arith.constant 11 : i32
    %add3A_98 = arith.addi %mul3A_9, %add3A_97 : i32
    %dma_start3A_99 = arith.constant 0 : i32
    %dma_start3A_100 = tpu.memref_slice %arg3[%add3A_98, %dma_start3A_99] : memref<1024x32768xf32, #tpu.memory_space<hbm>> -> memref<1x32768xf32, #tpu.memory_space<hbm>>
    %dma_start3A_101 = tpu.memref_squeeze %dma_start3A_100 : memref<1x32768xf32, #tpu.memory_space<hbm>> -> memref<32768xf32, #tpu.memory_space<hbm>>
    %dma_start3A_102 = arith.constant 0 : i32
    %dma_start3A_103 = tpu.memref_slice %arg3[%add3A_98, %dma_start3A_102] : memref<1024x32768xf32, #tpu.memory_space<hbm>> -> memref<1x32768xf32, #tpu.memory_space<hbm>>
    %dma_start3A_104 = tpu.memref_squeeze %dma_start3A_103 : memref<1x32768xf32, #tpu.memory_space<hbm>> -> memref<32768xf32, #tpu.memory_space<hbm>>
    tpu.enqueue_dma source(%arg5 : memref<32768xf32, #tpu.memory_space<vmem>>) target(%dma_start3A_104 : memref<32768xf32, #tpu.memory_space<hbm>>) target_semaphore(%arg7 : memref<!tpu.dma_semaphore, #tpu.memory_space<semaphore_mem>>)
    %add3A_105 = arith.constant 12 : i32
    %add3A_106 = arith.addi %mul3A_9, %add3A_105 : i32
    %dma_start3A_107 = arith.constant 0 : i32
    %dma_start3A_108 = tpu.memref_slice %arg3[%add3A_106, %dma_start3A_107] : memref<1024x32768xf32, #tpu.memory_space<hbm>> -> memref<1x32768xf32, #tpu.memory_space<hbm>>
    %dma_start3A_109 = tpu.memref_squeeze %dma_start3A_108 : memref<1x32768xf32, #tpu.memory_space<hbm>> -> memref<32768xf32, #tpu.memory_space<hbm>>
    %dma_start3A_110 = arith.constant 0 : i32
    %dma_start3A_111 = tpu.memref_slice %arg3[%add3A_106, %dma_start3A_110] : memref<1024x32768xf32, #tpu.memory_space<hbm>> -> memref<1x32768xf32, #tpu.memory_space<hbm>>
    %dma_start3A_112 = tpu.memref_squeeze %dma_start3A_111 : memref<1x32768xf32, #tpu.memory_space<hbm>> -> memref<32768xf32, #tpu.memory_space<hbm>>
    tpu.enqueue_dma source(%arg5 : memref<32768xf32, #tpu.memory_space<vmem>>) target(%dma_start3A_112 : memref<32768xf32, #tpu.memory_space<hbm>>) target_semaphore(%arg7 : memref<!tpu.dma_semaphore, #tpu.memory_space<semaphore_mem>>)
    %add3A_113 = arith.constant 13 : i32
    %add3A_114 = arith.addi %mul3A_9, %add3A_113 : i32
    %dma_start3A_115 = arith.constant 0 : i32
    %dma_start3A_116 = tpu.memref_slice %arg3[%add3A_114, %dma_start3A_115] : memref<1024x32768xf32, #tpu.memory_space<hbm>> -> memref<1x32768xf32, #tpu.memory_space<hbm>>
    %dma_start3A_117 = tpu.memref_squeeze %dma_start3A_116 : memref<1x32768xf32, #tpu.memory_space<hbm>> -> memref<32768xf32, #tpu.memory_space<hbm>>
    %dma_start3A_118 = arith.constant 0 : i32
    %dma_start3A_119 = tpu.memref_slice %arg3[%add3A_114, %dma_start3A_118] : memref<1024x32768xf32, #tpu.memory_space<hbm>> -> memref<1x32768xf32, #tpu.memory_space<hbm>>
    %dma_start3A_120 = tpu.memref_squeeze %dma_start3A_119 : memref<1x32768xf32, #tpu.memory_space<hbm>> -> memref<32768xf32, #tpu.memory_space<hbm>>
    tpu.enqueue_dma source(%arg5 : memref<32768xf32, #tpu.memory_space<vmem>>) target(%dma_start3A_120 : memref<32768xf32, #tpu.memory_space<hbm>>) target_semaphore(%arg7 : memref<!tpu.dma_semaphore, #tpu.memory_space<semaphore_mem>>)
    %add3A_121 = arith.constant 14 : i32
    %add3A_122 = arith.addi %mul3A_9, %add3A_121 : i32
    %dma_start3A_123 = arith.constant 0 : i32
    %dma_start3A_124 = tpu.memref_slice %arg3[%add3A_122, %dma_start3A_123] : memref<1024x32768xf32, #tpu.memory_space<hbm>> -> memref<1x32768xf32, #tpu.memory_space<hbm>>
    %dma_start3A_125 = tpu.memref_squeeze %dma_start3A_124 : memref<1x32768xf32, #tpu.memory_space<hbm>> -> memref<32768xf32, #tpu.memory_space<hbm>>
    %dma_start3A_126 = arith.constant 0 : i32
    %dma_start3A_127 = tpu.memref_slice %arg3[%add3A_122, %dma_start3A_126] : memref<1024x32768xf32, #tpu.memory_space<hbm>> -> memref<1x32768xf32, #tpu.memory_space<hbm>>
    %dma_start3A_128 = tpu.memref_squeeze %dma_start3A_127 : memref<1x32768xf32, #tpu.memory_space<hbm>> -> memref<32768xf32, #tpu.memory_space<hbm>>
    tpu.enqueue_dma source(%arg5 : memref<32768xf32, #tpu.memory_space<vmem>>) target(%dma_start3A_128 : memref<32768xf32, #tpu.memory_space<hbm>>) target_semaphore(%arg7 : memref<!tpu.dma_semaphore, #tpu.memory_space<semaphore_mem>>)
    %add3A_129 = arith.constant 15 : i32
    %add3A_130 = arith.addi %mul3A_9, %add3A_129 : i32
    %dma_start3A_131 = arith.constant 0 : i32
    %dma_start3A_132 = tpu.memref_slice %arg3[%add3A_130, %dma_start3A_131] : memref<1024x32768xf32, #tpu.memory_space<hbm>> -> memref<1x32768xf32, #tpu.memory_space<hbm>>
    %dma_start3A_133 = tpu.memref_squeeze %dma_start3A_132 : memref<1x32768xf32, #tpu.memory_space<hbm>> -> memref<32768xf32, #tpu.memory_space<hbm>>
    %dma_start3A_134 = arith.constant 0 : i32
    %dma_start3A_135 = tpu.memref_slice %arg3[%add3A_130, %dma_start3A_134] : memref<1024x32768xf32, #tpu.memory_space<hbm>> -> memref<1x32768xf32, #tpu.memory_space<hbm>>
    %dma_start3A_136 = tpu.memref_squeeze %dma_start3A_135 : memref<1x32768xf32, #tpu.memory_space<hbm>> -> memref<32768xf32, #tpu.memory_space<hbm>>
    tpu.enqueue_dma source(%arg5 : memref<32768xf32, #tpu.memory_space<vmem>>) target(%dma_start3A_136 : memref<32768xf32, #tpu.memory_space<hbm>>) target_semaphore(%arg7 : memref<!tpu.dma_semaphore, #tpu.memory_space<semaphore_mem>>)
    %add3A_137 = arith.constant 16 : i32
    %add3A_138 = arith.addi %mul3A_9, %add3A_137 : i32
    %dma_start3A_139 = arith.constant 0 : i32
    %dma_start3A_140 = tpu.memref_slice %arg3[%add3A_138, %dma_start3A_139] : memref<1024x32768xf32, #tpu.memory_space<hbm>> -> memref<1x32768xf32, #tpu.memory_space<hbm>>
    %dma_start3A_141 = tpu.memref_squeeze %dma_start3A_140 : memref<1x32768xf32, #tpu.memory_space<hbm>> -> memref<32768xf32, #tpu.memory_space<hbm>>
    %dma_start3A_142 = arith.constant 0 : i32
    %dma_start3A_143 = tpu.memref_slice %arg3[%add3A_138, %dma_start3A_142] : memref<1024x32768xf32, #tpu.memory_space<hbm>> -> memref<1x32768xf32, #tpu.memory_space<hbm>>
    %dma_start3A_144 = tpu.memref_squeeze %dma_start3A_143 : memref<1x32768xf32, #tpu.memory_space<hbm>> -> memref<32768xf32, #tpu.memory_space<hbm>>
    tpu.enqueue_dma source(%arg5 : memref<32768xf32, #tpu.memory_space<vmem>>) target(%dma_start3A_144 : memref<32768xf32, #tpu.memory_space<hbm>>) target_semaphore(%arg7 : memref<!tpu.dma_semaphore, #tpu.memory_space<semaphore_mem>>)
    %add3A_145 = arith.constant 17 : i32
    %add3A_146 = arith.addi %mul3A_9, %add3A_145 : i32
    %dma_start3A_147 = arith.constant 0 : i32
    %dma_start3A_148 = tpu.memref_slice %arg3[%add3A_146, %dma_start3A_147] : memref<1024x32768xf32, #tpu.memory_space<hbm>> -> memref<1x32768xf32, #tpu.memory_space<hbm>>
    %dma_start3A_149 = tpu.memref_squeeze %dma_start3A_148 : memref<1x32768xf32, #tpu.memory_space<hbm>> -> memref<32768xf32, #tpu.memory_space<hbm>>
    %dma_start3A_150 = arith.constant 0 : i32
    %dma_start3A_151 = tpu.memref_slice %arg3[%add3A_146, %dma_start3A_150] : memref<1024x32768xf32, #tpu.memory_space<hbm>> -> memref<1x32768xf32, #tpu.memory_space<hbm>>
    %dma_start3A_152 = tpu.memref_squeeze %dma_start3A_151 : memref<1x32768xf32, #tpu.memory_space<hbm>> -> memref<32768xf32, #tpu.memory_space<hbm>>
    tpu.enqueue_dma source(%arg5 : memref<32768xf32, #tpu.memory_space<vmem>>) target(%dma_start3A_152 : memref<32768xf32, #tpu.memory_space<hbm>>) target_semaphore(%arg7 : memref<!tpu.dma_semaphore, #tpu.memory_space<semaphore_mem>>)
    %add3A_153 = arith.constant 18 : i32
    %add3A_154 = arith.addi %mul3A_9, %add3A_153 : i32
    %dma_start3A_155 = arith.constant 0 : i32
    %dma_start3A_156 = tpu.memref_slice %arg3[%add3A_154, %dma_start3A_155] : memref<1024x32768xf32, #tpu.memory_space<hbm>> -> memref<1x32768xf32, #tpu.memory_space<hbm>>
    %dma_start3A_157 = tpu.memref_squeeze %dma_start3A_156 : memref<1x32768xf32, #tpu.memory_space<hbm>> -> memref<32768xf32, #tpu.memory_space<hbm>>
    %dma_start3A_158 = arith.constant 0 : i32
    %dma_start3A_159 = tpu.memref_slice %arg3[%add3A_154, %dma_start3A_158] : memref<1024x32768xf32, #tpu.memory_space<hbm>> -> memref<1x32768xf32, #tpu.memory_space<hbm>>
    %dma_start3A_160 = tpu.memref_squeeze %dma_start3A_159 : memref<1x32768xf32, #tpu.memory_space<hbm>> -> memref<32768xf32, #tpu.memory_space<hbm>>
    tpu.enqueue_dma source(%arg5 : memref<32768xf32, #tpu.memory_space<vmem>>) target(%dma_start3A_160 : memref<32768xf32, #tpu.memory_space<hbm>>) target_semaphore(%arg7 : memref<!tpu.dma_semaphore, #tpu.memory_space<semaphore_mem>>)
    %add3A_161 = arith.constant 19 : i32
    %add3A_162 = arith.addi %mul3A_9, %add3A_161 : i32
    %dma_start3A_163 = arith.constant 0 : i32
    %dma_start3A_164 = tpu.memref_slice %arg3[%add3A_162, %dma_start3A_163] : memref<1024x32768xf32, #tpu.memory_space<hbm>> -> memref<1x32768xf32, #tpu.memory_space<hbm>>
    %dma_start3A_165 = tpu.memref_squeeze %dma_start3A_164 : memref<1x32768xf32, #tpu.memory_space<hbm>> -> memref<32768xf32, #tpu.memory_space<hbm>>
    %dma_start3A_166 = arith.constant 0 : i32
    %dma_start3A_167 = tpu.memref_slice %arg3[%add3A_162, %dma_start3A_166] : memref<1024x32768xf32, #tpu.memory_space<hbm>> -> memref<1x32768xf32, #tpu.memory_space<hbm>>
    %dma_start3A_168 = tpu.memref_squeeze %dma_start3A_167 : memref<1x32768xf32, #tpu.memory_space<hbm>> -> memref<32768xf32, #tpu.memory_space<hbm>>
    tpu.enqueue_dma source(%arg5 : memref<32768xf32, #tpu.memory_space<vmem>>) target(%dma_start3A_168 : memref<32768xf32, #tpu.memory_space<hbm>>) target_semaphore(%arg7 : memref<!tpu.dma_semaphore, #tpu.memory_space<semaphore_mem>>)
    %add3A_169 = arith.constant 20 : i32
    %add3A_170 = arith.addi %mul3A_9, %add3A_169 : i32
    %dma_start3A_171 = arith.constant 0 : i32
    %dma_start3A_172 = tpu.memref_slice %arg3[%add3A_170, %dma_start3A_171] : memref<1024x32768xf32, #tpu.memory_space<hbm>> -> memref<1x32768xf32, #tpu.memory_space<hbm>>
    %dma_start3A_173 = tpu.memref_squeeze %dma_start3A_172 : memref<1x32768xf32, #tpu.memory_space<hbm>> -> memref<32768xf32, #tpu.memory_space<hbm>>
    %dma_start3A_174 = arith.constant 0 : i32
    %dma_start3A_175 = tpu.memref_slice %arg3[%add3A_170, %dma_start3A_174] : memref<1024x32768xf32, #tpu.memory_space<hbm>> -> memref<1x32768xf32, #tpu.memory_space<hbm>>
    %dma_start3A_176 = tpu.memref_squeeze %dma_start3A_175 : memref<1x32768xf32, #tpu.memory_space<hbm>> -> memref<32768xf32, #tpu.memory_space<hbm>>
    tpu.enqueue_dma source(%arg5 : memref<32768xf32, #tpu.memory_space<vmem>>) target(%dma_start3A_176 : memref<32768xf32, #tpu.memory_space<hbm>>) target_semaphore(%arg7 : memref<!tpu.dma_semaphore, #tpu.memory_space<semaphore_mem>>)
    %add3A_177 = arith.constant 21 : i32
    %add3A_178 = arith.addi %mul3A_9, %add3A_177 : i32
    %dma_start3A_179 = arith.constant 0 : i32
    %dma_start3A_180 = tpu.memref_slice %arg3[%add3A_178, %dma_start3A_179] : memref<1024x32768xf32, #tpu.memory_space<hbm>> -> memref<1x32768xf32, #tpu.memory_space<hbm>>
    %dma_start3A_181 = tpu.memref_squeeze %dma_start3A_180 : memref<1x32768xf32, #tpu.memory_space<hbm>> -> memref<32768xf32, #tpu.memory_space<hbm>>
    %dma_start3A_182 = arith.constant 0 : i32
    %dma_start3A_183 = tpu.memref_slice %arg3[%add3A_178, %dma_start3A_182] : memref<1024x32768xf32, #tpu.memory_space<hbm>> -> memref<1x32768xf32, #tpu.memory_space<hbm>>
    %dma_start3A_184 = tpu.memref_squeeze %dma_start3A_183 : memref<1x32768xf32, #tpu.memory_space<hbm>> -> memref<32768xf32, #tpu.memory_space<hbm>>
    tpu.enqueue_dma source(%arg5 : memref<32768xf32, #tpu.memory_space<vmem>>) target(%dma_start3A_184 : memref<32768xf32, #tpu.memory_space<hbm>>) target_semaphore(%arg7 : memref<!tpu.dma_semaphore, #tpu.memory_space<semaphore_mem>>)
    %add3A_185 = arith.constant 22 : i32
    %add3A_186 = arith.addi %mul3A_9, %add3A_185 : i32
    %dma_start3A_187 = arith.constant 0 : i32
    %dma_start3A_188 = tpu.memref_slice %arg3[%add3A_186, %dma_start3A_187] : memref<1024x32768xf32, #tpu.memory_space<hbm>> -> memref<1x32768xf32, #tpu.memory_space<hbm>>
    %dma_start3A_189 = tpu.memref_squeeze %dma_start3A_188 : memref<1x32768xf32, #tpu.memory_space<hbm>> -> memref<32768xf32, #tpu.memory_space<hbm>>
    %dma_start3A_190 = arith.constant 0 : i32
    %dma_start3A_191 = tpu.memref_slice %arg3[%add3A_186, %dma_start3A_190] : memref<1024x32768xf32, #tpu.memory_space<hbm>> -> memref<1x32768xf32, #tpu.memory_space<hbm>>
    %dma_start3A_192 = tpu.memref_squeeze %dma_start3A_191 : memref<1x32768xf32, #tpu.memory_space<hbm>> -> memref<32768xf32, #tpu.memory_space<hbm>>
    tpu.enqueue_dma source(%arg5 : memref<32768xf32, #tpu.memory_space<vmem>>) target(%dma_start3A_192 : memref<32768xf32, #tpu.memory_space<hbm>>) target_semaphore(%arg7 : memref<!tpu.dma_semaphore, #tpu.memory_space<semaphore_mem>>)
    %add3A_193 = arith.constant 23 : i32
    %add3A_194 = arith.addi %mul3A_9, %add3A_193 : i32
    %dma_start3A_195 = arith.constant 0 : i32
    %dma_start3A_196 = tpu.memref_slice %arg3[%add3A_194, %dma_start3A_195] : memref<1024x32768xf32, #tpu.memory_space<hbm>> -> memref<1x32768xf32, #tpu.memory_space<hbm>>
    %dma_start3A_197 = tpu.memref_squeeze %dma_start3A_196 : memref<1x32768xf32, #tpu.memory_space<hbm>> -> memref<32768xf32, #tpu.memory_space<hbm>>
    %dma_start3A_198 = arith.constant 0 : i32
    %dma_start3A_199 = tpu.memref_slice %arg3[%add3A_194, %dma_start3A_198] : memref<1024x32768xf32, #tpu.memory_space<hbm>> -> memref<1x32768xf32, #tpu.memory_space<hbm>>
    %dma_start3A_200 = tpu.memref_squeeze %dma_start3A_199 : memref<1x32768xf32, #tpu.memory_space<hbm>> -> memref<32768xf32, #tpu.memory_space<hbm>>
    tpu.enqueue_dma source(%arg5 : memref<32768xf32, #tpu.memory_space<vmem>>) target(%dma_start3A_200 : memref<32768xf32, #tpu.memory_space<hbm>>) target_semaphore(%arg7 : memref<!tpu.dma_semaphore, #tpu.memory_space<semaphore_mem>>)
    %add3A_201 = arith.constant 24 : i32
    %add3A_202 = arith.addi %mul3A_9, %add3A_201 : i32
    %dma_start3A_203 = arith.constant 0 : i32
    %dma_start3A_204 = tpu.memref_slice %arg3[%add3A_202, %dma_start3A_203] : memref<1024x32768xf32, #tpu.memory_space<hbm>> -> memref<1x32768xf32, #tpu.memory_space<hbm>>
    %dma_start3A_205 = tpu.memref_squeeze %dma_start3A_204 : memref<1x32768xf32, #tpu.memory_space<hbm>> -> memref<32768xf32, #tpu.memory_space<hbm>>
    %dma_start3A_206 = arith.constant 0 : i32
    %dma_start3A_207 = tpu.memref_slice %arg3[%add3A_202, %dma_start3A_206] : memref<1024x32768xf32, #tpu.memory_space<hbm>> -> memref<1x32768xf32, #tpu.memory_space<hbm>>
    %dma_start3A_208 = tpu.memref_squeeze %dma_start3A_207 : memref<1x32768xf32, #tpu.memory_space<hbm>> -> memref<32768xf32, #tpu.memory_space<hbm>>
    tpu.enqueue_dma source(%arg5 : memref<32768xf32, #tpu.memory_space<vmem>>) target(%dma_start3A_208 : memref<32768xf32, #tpu.memory_space<hbm>>) target_semaphore(%arg7 : memref<!tpu.dma_semaphore, #tpu.memory_space<semaphore_mem>>)
    %add3A_209 = arith.constant 25 : i32
    %add3A_210 = arith.addi %mul3A_9, %add3A_209 : i32
    %dma_start3A_211 = arith.constant 0 : i32
    %dma_start3A_212 = tpu.memref_slice %arg3[%add3A_210, %dma_start3A_211] : memref<1024x32768xf32, #tpu.memory_space<hbm>> -> memref<1x32768xf32, #tpu.memory_space<hbm>>
    %dma_start3A_213 = tpu.memref_squeeze %dma_start3A_212 : memref<1x32768xf32, #tpu.memory_space<hbm>> -> memref<32768xf32, #tpu.memory_space<hbm>>
    %dma_start3A_214 = arith.constant 0 : i32
    %dma_start3A_215 = tpu.memref_slice %arg3[%add3A_210, %dma_start3A_214] : memref<1024x32768xf32, #tpu.memory_space<hbm>> -> memref<1x32768xf32, #tpu.memory_space<hbm>>
    %dma_start3A_216 = tpu.memref_squeeze %dma_start3A_215 : memref<1x32768xf32, #tpu.memory_space<hbm>> -> memref<32768xf32, #tpu.memory_space<hbm>>
    tpu.enqueue_dma source(%arg5 : memref<32768xf32, #tpu.memory_space<vmem>>) target(%dma_start3A_216 : memref<32768xf32, #tpu.memory_space<hbm>>) target_semaphore(%arg7 : memref<!tpu.dma_semaphore, #tpu.memory_space<semaphore_mem>>)
    %add3A_217 = arith.constant 26 : i32
    %add3A_218 = arith.addi %mul3A_9, %add3A_217 : i32
    %dma_start3A_219 = arith.constant 0 : i32
    %dma_start3A_220 = tpu.memref_slice %arg3[%add3A_218, %dma_start3A_219] : memref<1024x32768xf32, #tpu.memory_space<hbm>> -> memref<1x32768xf32, #tpu.memory_space<hbm>>
    %dma_start3A_221 = tpu.memref_squeeze %dma_start3A_220 : memref<1x32768xf32, #tpu.memory_space<hbm>> -> memref<32768xf32, #tpu.memory_space<hbm>>
    %dma_start3A_222 = arith.constant 0 : i32
    %dma_start3A_223 = tpu.memref_slice %arg3[%add3A_218, %dma_start3A_222] : memref<1024x32768xf32, #tpu.memory_space<hbm>> -> memref<1x32768xf32, #tpu.memory_space<hbm>>
    %dma_start3A_224 = tpu.memref_squeeze %dma_start3A_223 : memref<1x32768xf32, #tpu.memory_space<hbm>> -> memref<32768xf32, #tpu.memory_space<hbm>>
    tpu.enqueue_dma source(%arg5 : memref<32768xf32, #tpu.memory_space<vmem>>) target(%dma_start3A_224 : memref<32768xf32, #tpu.memory_space<hbm>>) target_semaphore(%arg7 : memref<!tpu.dma_semaphore, #tpu.memory_space<semaphore_mem>>)
    %add3A_225 = arith.constant 27 : i32
    %add3A_226 = arith.addi %mul3A_9, %add3A_225 : i32
    %dma_start3A_227 = arith.constant 0 : i32
    %dma_start3A_228 = tpu.memref_slice %arg3[%add3A_226, %dma_start3A_227] : memref<1024x32768xf32, #tpu.memory_space<hbm>> -> memref<1x32768xf32, #tpu.memory_space<hbm>>
    %dma_start3A_229 = tpu.memref_squeeze %dma_start3A_228 : memref<1x32768xf32, #tpu.memory_space<hbm>> -> memref<32768xf32, #tpu.memory_space<hbm>>
    %dma_start3A_230 = arith.constant 0 : i32
    %dma_start3A_231 = tpu.memref_slice %arg3[%add3A_226, %dma_start3A_230] : memref<1024x32768xf32, #tpu.memory_space<hbm>> -> memref<1x32768xf32, #tpu.memory_space<hbm>>
    %dma_start3A_232 = tpu.memref_squeeze %dma_start3A_231 : memref<1x32768xf32, #tpu.memory_space<hbm>> -> memref<32768xf32, #tpu.memory_space<hbm>>
    tpu.enqueue_dma source(%arg5 : memref<32768xf32, #tpu.memory_space<vmem>>) target(%dma_start3A_232 : memref<32768xf32, #tpu.memory_space<hbm>>) target_semaphore(%arg7 : memref<!tpu.dma_semaphore, #tpu.memory_space<semaphore_mem>>)
    %add3A_233 = arith.constant 28 : i32
    %add3A_234 = arith.addi %mul3A_9, %add3A_233 : i32
    %dma_start3A_235 = arith.constant 0 : i32
    %dma_start3A_236 = tpu.memref_slice %arg3[%add3A_234, %dma_start3A_235] : memref<1024x32768xf32, #tpu.memory_space<hbm>> -> memref<1x32768xf32, #tpu.memory_space<hbm>>
    %dma_start3A_237 = tpu.memref_squeeze %dma_start3A_236 : memref<1x32768xf32, #tpu.memory_space<hbm>> -> memref<32768xf32, #tpu.memory_space<hbm>>
    %dma_start3A_238 = arith.constant 0 : i32
    %dma_start3A_239 = tpu.memref_slice %arg3[%add3A_234, %dma_start3A_238] : memref<1024x32768xf32, #tpu.memory_space<hbm>> -> memref<1x32768xf32, #tpu.memory_space<hbm>>
    %dma_start3A_240 = tpu.memref_squeeze %dma_start3A_239 : memref<1x32768xf32, #tpu.memory_space<hbm>> -> memref<32768xf32, #tpu.memory_space<hbm>>
    tpu.enqueue_dma source(%arg5 : memref<32768xf32, #tpu.memory_space<vmem>>) target(%dma_start3A_240 : memref<32768xf32, #tpu.memory_space<hbm>>) target_semaphore(%arg7 : memref<!tpu.dma_semaphore, #tpu.memory_space<semaphore_mem>>)
    %add3A_241 = arith.constant 29 : i32
    %add3A_242 = arith.addi %mul3A_9, %add3A_241 : i32
    %dma_start3A_243 = arith.constant 0 : i32
    %dma_start3A_244 = tpu.memref_slice %arg3[%add3A_242, %dma_start3A_243] : memref<1024x32768xf32, #tpu.memory_space<hbm>> -> memref<1x32768xf32, #tpu.memory_space<hbm>>
    %dma_start3A_245 = tpu.memref_squeeze %dma_start3A_244 : memref<1x32768xf32, #tpu.memory_space<hbm>> -> memref<32768xf32, #tpu.memory_space<hbm>>
    %dma_start3A_246 = arith.constant 0 : i32
    %dma_start3A_247 = tpu.memref_slice %arg3[%add3A_242, %dma_start3A_246] : memref<1024x32768xf32, #tpu.memory_space<hbm>> -> memref<1x32768xf32, #tpu.memory_space<hbm>>
    %dma_start3A_248 = tpu.memref_squeeze %dma_start3A_247 : memref<1x32768xf32, #tpu.memory_space<hbm>> -> memref<32768xf32, #tpu.memory_space<hbm>>
    tpu.enqueue_dma source(%arg5 : memref<32768xf32, #tpu.memory_space<vmem>>) target(%dma_start3A_248 : memref<32768xf32, #tpu.memory_space<hbm>>) target_semaphore(%arg7 : memref<!tpu.dma_semaphore, #tpu.memory_space<semaphore_mem>>)
    %add3A_249 = arith.constant 30 : i32
    %add3A_250 = arith.addi %mul3A_9, %add3A_249 : i32
    %dma_start3A_251 = arith.constant 0 : i32
    %dma_start3A_252 = tpu.memref_slice %arg3[%add3A_250, %dma_start3A_251] : memref<1024x32768xf32, #tpu.memory_space<hbm>> -> memref<1x32768xf32, #tpu.memory_space<hbm>>
    %dma_start3A_253 = tpu.memref_squeeze %dma_start3A_252 : memref<1x32768xf32, #tpu.memory_space<hbm>> -> memref<32768xf32, #tpu.memory_space<hbm>>
    %dma_start3A_254 = arith.constant 0 : i32
    %dma_start3A_255 = tpu.memref_slice %arg3[%add3A_250, %dma_start3A_254] : memref<1024x32768xf32, #tpu.memory_space<hbm>> -> memref<1x32768xf32, #tpu.memory_space<hbm>>
    %dma_start3A_256 = tpu.memref_squeeze %dma_start3A_255 : memref<1x32768xf32, #tpu.memory_space<hbm>> -> memref<32768xf32, #tpu.memory_space<hbm>>
    tpu.enqueue_dma source(%arg5 : memref<32768xf32, #tpu.memory_space<vmem>>) target(%dma_start3A_256 : memref<32768xf32, #tpu.memory_space<hbm>>) target_semaphore(%arg7 : memref<!tpu.dma_semaphore, #tpu.memory_space<semaphore_mem>>)
    %add3A_257 = arith.constant 31 : i32
    %add3A_258 = arith.addi %mul3A_9, %add3A_257 : i32
    %dma_start3A_259 = arith.constant 0 : i32
    %dma_start3A_260 = tpu.memref_slice %arg3[%add3A_258, %dma_start3A_259] : memref<1024x32768xf32, #tpu.memory_space<hbm>> -> memref<1x32768xf32, #tpu.memory_space<hbm>>
    %dma_start3A_261 = tpu.memref_squeeze %dma_start3A_260 : memref<1x32768xf32, #tpu.memory_space<hbm>> -> memref<32768xf32, #tpu.memory_space<hbm>>
    %dma_start3A_262 = arith.constant 0 : i32
    %dma_start3A_263 = tpu.memref_slice %arg3[%add3A_258, %dma_start3A_262] : memref<1024x32768xf32, #tpu.memory_space<hbm>> -> memref<1x32768xf32, #tpu.memory_space<hbm>>
    %dma_start3A_264 = tpu.memref_squeeze %dma_start3A_263 : memref<1x32768xf32, #tpu.memory_space<hbm>> -> memref<32768xf32, #tpu.memory_space<hbm>>
    tpu.enqueue_dma source(%arg5 : memref<32768xf32, #tpu.memory_space<vmem>>) target(%dma_start3A_264 : memref<32768xf32, #tpu.memory_space<hbm>>) target_semaphore(%arg7 : memref<!tpu.dma_semaphore, #tpu.memory_space<semaphore_mem>>)
    %dma_wait3A = arith.constant 0 : i32
    %dma_wait3A_265 = tpu.memref_slice %arg3[%add3A_11, %dma_wait3A] : memref<1024x32768xf32, #tpu.memory_space<hbm>> -> memref<1x32768xf32, #tpu.memory_space<hbm>>
    %dma_wait3A_266 = tpu.memref_squeeze %dma_wait3A_265 : memref<1x32768xf32, #tpu.memory_space<hbm>> -> memref<32768xf32, #tpu.memory_space<hbm>>
    %dma_wait3A_267 = arith.constant 0 : i32
    %dma_wait3A_268 = tpu.memref_slice %arg3[%add3A_11, %dma_wait3A_267] : memref<1024x32768xf32, #tpu.memory_space<hbm>> -> memref<1x32768xf32, #tpu.memory_space<hbm>>
    %dma_wait3A_269 = tpu.memref_squeeze %dma_wait3A_268 : memref<1x32768xf32, #tpu.memory_space<hbm>> -> memref<32768xf32, #tpu.memory_space<hbm>>
    tpu.wait_dma2 semaphore(%arg7 : memref<!tpu.dma_semaphore, #tpu.memory_space<semaphore_mem>>) src(%arg5 : memref<32768xf32, #tpu.memory_space<vmem>>) dst(%dma_wait3A_269 : memref<32768xf32, #tpu.memory_space<hbm>>)
    %dma_wait3A_270 = arith.constant 0 : i32
    %dma_wait3A_271 = tpu.memref_slice %arg3[%add3A_18, %dma_wait3A_270] : memref<1024x32768xf32, #tpu.memory_space<hbm>> -> memref<1x32768xf32, #tpu.memory_space<hbm>>
    %dma_wait3A_272 = tpu.memref_squeeze %dma_wait3A_271 : memref<1x32768xf32, #tpu.memory_space<hbm>> -> memref<32768xf32, #tpu.memory_space<hbm>>
    %dma_wait3A_273 = arith.constant 0 : i32
    %dma_wait3A_274 = tpu.memref_slice %arg3[%add3A_18, %dma_wait3A_273] : memref<1024x32768xf32, #tpu.memory_space<hbm>> -> memref<1x32768xf32, #tpu.memory_space<hbm>>
    %dma_wait3A_275 = tpu.memref_squeeze %dma_wait3A_274 : memref<1x32768xf32, #tpu.memory_space<hbm>> -> memref<32768xf32, #tpu.memory_space<hbm>>
    tpu.wait_dma2 semaphore(%arg7 : memref<!tpu.dma_semaphore, #tpu.memory_space<semaphore_mem>>) src(%arg5 : memref<32768xf32, #tpu.memory_space<vmem>>) dst(%dma_wait3A_275 : memref<32768xf32, #tpu.memory_space<hbm>>)
    %dma_wait3A_276 = arith.constant 0 : i32
    %dma_wait3A_277 = tpu.memref_slice %arg3[%add3A_26, %dma_wait3A_276] : memref<1024x32768xf32, #tpu.memory_space<hbm>> -> memref<1x32768xf32, #tpu.memory_space<hbm>>
    %dma_wait3A_278 = tpu.memref_squeeze %dma_wait3A_277 : memref<1x32768xf32, #tpu.memory_space<hbm>> -> memref<32768xf32, #tpu.memory_space<hbm>>
    %dma_wait3A_279 = arith.constant 0 : i32
    %dma_wait3A_280 = tpu.memref_slice %arg3[%add3A_26, %dma_wait3A_279] : memref<1024x32768xf32, #tpu.memory_space<hbm>> -> memref<1x32768xf32, #tpu.memory_space<hbm>>
    %dma_wait3A_281 = tpu.memref_squeeze %dma_wait3A_280 : memref<1x32768xf32, #tpu.memory_space<hbm>> -> memref<32768xf32, #tpu.memory_space<hbm>>
    tpu.wait_dma2 semaphore(%arg7 : memref<!tpu.dma_semaphore, #tpu.memory_space<semaphore_mem>>) src(%arg5 : memref<32768xf32, #tpu.memory_space<vmem>>) dst(%dma_wait3A_281 : memref<32768xf32, #tpu.memory_space<hbm>>)
    %dma_wait3A_282 = arith.constant 0 : i32
    %dma_wait3A_283 = tpu.memref_slice %arg3[%add3A_34, %dma_wait3A_282] : memref<1024x32768xf32, #tpu.memory_space<hbm>> -> memref<1x32768xf32, #tpu.memory_space<hbm>>
    %dma_wait3A_284 = tpu.memref_squeeze %dma_wait3A_283 : memref<1x32768xf32, #tpu.memory_space<hbm>> -> memref<32768xf32, #tpu.memory_space<hbm>>
    %dma_wait3A_285 = arith.constant 0 : i32
    %dma_wait3A_286 = tpu.memref_slice %arg3[%add3A_34, %dma_wait3A_285] : memref<1024x32768xf32, #tpu.memory_space<hbm>> -> memref<1x32768xf32, #tpu.memory_space<hbm>>
    %dma_wait3A_287 = tpu.memref_squeeze %dma_wait3A_286 : memref<1x32768xf32, #tpu.memory_space<hbm>> -> memref<32768xf32, #tpu.memory_space<hbm>>
    tpu.wait_dma2 semaphore(%arg7 : memref<!tpu.dma_semaphore, #tpu.memory_space<semaphore_mem>>) src(%arg5 : memref<32768xf32, #tpu.memory_space<vmem>>) dst(%dma_wait3A_287 : memref<32768xf32, #tpu.memory_space<hbm>>)
    %dma_wait3A_288 = arith.constant 0 : i32
    %dma_wait3A_289 = tpu.memref_slice %arg3[%add3A_42, %dma_wait3A_288] : memref<1024x32768xf32, #tpu.memory_space<hbm>> -> memref<1x32768xf32, #tpu.memory_space<hbm>>
    %dma_wait3A_290 = tpu.memref_squeeze %dma_wait3A_289 : memref<1x32768xf32, #tpu.memory_space<hbm>> -> memref<32768xf32, #tpu.memory_space<hbm>>
    %dma_wait3A_291 = arith.constant 0 : i32
    %dma_wait3A_292 = tpu.memref_slice %arg3[%add3A_42, %dma_wait3A_291] : memref<1024x32768xf32, #tpu.memory_space<hbm>> -> memref<1x32768xf32, #tpu.memory_space<hbm>>
    %dma_wait3A_293 = tpu.memref_squeeze %dma_wait3A_292 : memref<1x32768xf32, #tpu.memory_space<hbm>> -> memref<32768xf32, #tpu.memory_space<hbm>>
    tpu.wait_dma2 semaphore(%arg7 : memref<!tpu.dma_semaphore, #tpu.memory_space<semaphore_mem>>) src(%arg5 : memref<32768xf32, #tpu.memory_space<vmem>>) dst(%dma_wait3A_293 : memref<32768xf32, #tpu.memory_space<hbm>>)
    %dma_wait3A_294 = arith.constant 0 : i32
    %dma_wait3A_295 = tpu.memref_slice %arg3[%add3A_50, %dma_wait3A_294] : memref<1024x32768xf32, #tpu.memory_space<hbm>> -> memref<1x32768xf32, #tpu.memory_space<hbm>>
    %dma_wait3A_296 = tpu.memref_squeeze %dma_wait3A_295 : memref<1x32768xf32, #tpu.memory_space<hbm>> -> memref<32768xf32, #tpu.memory_space<hbm>>
    %dma_wait3A_297 = arith.constant 0 : i32
    %dma_wait3A_298 = tpu.memref_slice %arg3[%add3A_50, %dma_wait3A_297] : memref<1024x32768xf32, #tpu.memory_space<hbm>> -> memref<1x32768xf32, #tpu.memory_space<hbm>>
    %dma_wait3A_299 = tpu.memref_squeeze %dma_wait3A_298 : memref<1x32768xf32, #tpu.memory_space<hbm>> -> memref<32768xf32, #tpu.memory_space<hbm>>
    tpu.wait_dma2 semaphore(%arg7 : memref<!tpu.dma_semaphore, #tpu.memory_space<semaphore_mem>>) src(%arg5 : memref<32768xf32, #tpu.memory_space<vmem>>) dst(%dma_wait3A_299 : memref<32768xf32, #tpu.memory_space<hbm>>)
    %dma_wait3A_300 = arith.constant 0 : i32
    %dma_wait3A_301 = tpu.memref_slice %arg3[%add3A_58, %dma_wait3A_300] : memref<1024x32768xf32, #tpu.memory_space<hbm>> -> memref<1x32768xf32, #tpu.memory_space<hbm>>
    %dma_wait3A_302 = tpu.memref_squeeze %dma_wait3A_301 : memref<1x32768xf32, #tpu.memory_space<hbm>> -> memref<32768xf32, #tpu.memory_space<hbm>>
    %dma_wait3A_303 = arith.constant 0 : i32
    %dma_wait3A_304 = tpu.memref_slice %arg3[%add3A_58, %dma_wait3A_303] : memref<1024x32768xf32, #tpu.memory_space<hbm>> -> memref<1x32768xf32, #tpu.memory_space<hbm>>
    %dma_wait3A_305 = tpu.memref_squeeze %dma_wait3A_304 : memref<1x32768xf32, #tpu.memory_space<hbm>> -> memref<32768xf32, #tpu.memory_space<hbm>>
    tpu.wait_dma2 semaphore(%arg7 : memref<!tpu.dma_semaphore, #tpu.memory_space<semaphore_mem>>) src(%arg5 : memref<32768xf32, #tpu.memory_space<vmem>>) dst(%dma_wait3A_305 : memref<32768xf32, #tpu.memory_space<hbm>>)
    %dma_wait3A_306 = arith.constant 0 : i32
    %dma_wait3A_307 = tpu.memref_slice %arg3[%add3A_66, %dma_wait3A_306] : memref<1024x32768xf32, #tpu.memory_space<hbm>> -> memref<1x32768xf32, #tpu.memory_space<hbm>>
    %dma_wait3A_308 = tpu.memref_squeeze %dma_wait3A_307 : memref<1x32768xf32, #tpu.memory_space<hbm>> -> memref<32768xf32, #tpu.memory_space<hbm>>
    %dma_wait3A_309 = arith.constant 0 : i32
    %dma_wait3A_310 = tpu.memref_slice %arg3[%add3A_66, %dma_wait3A_309] : memref<1024x32768xf32, #tpu.memory_space<hbm>> -> memref<1x32768xf32, #tpu.memory_space<hbm>>
    %dma_wait3A_311 = tpu.memref_squeeze %dma_wait3A_310 : memref<1x32768xf32, #tpu.memory_space<hbm>> -> memref<32768xf32, #tpu.memory_space<hbm>>
    tpu.wait_dma2 semaphore(%arg7 : memref<!tpu.dma_semaphore, #tpu.memory_space<semaphore_mem>>) src(%arg5 : memref<32768xf32, #tpu.memory_space<vmem>>) dst(%dma_wait3A_311 : memref<32768xf32, #tpu.memory_space<hbm>>)
    %dma_wait3A_312 = arith.constant 0 : i32
    %dma_wait3A_313 = tpu.memref_slice %arg3[%add3A_74, %dma_wait3A_312] : memref<1024x32768xf32, #tpu.memory_space<hbm>> -> memref<1x32768xf32, #tpu.memory_space<hbm>>
    %dma_wait3A_314 = tpu.memref_squeeze %dma_wait3A_313 : memref<1x32768xf32, #tpu.memory_space<hbm>> -> memref<32768xf32, #tpu.memory_space<hbm>>
    %dma_wait3A_315 = arith.constant 0 : i32
    %dma_wait3A_316 = tpu.memref_slice %arg3[%add3A_74, %dma_wait3A_315] : memref<1024x32768xf32, #tpu.memory_space<hbm>> -> memref<1x32768xf32, #tpu.memory_space<hbm>>
    %dma_wait3A_317 = tpu.memref_squeeze %dma_wait3A_316 : memref<1x32768xf32, #tpu.memory_space<hbm>> -> memref<32768xf32, #tpu.memory_space<hbm>>
    tpu.wait_dma2 semaphore(%arg7 : memref<!tpu.dma_semaphore, #tpu.memory_space<semaphore_mem>>) src(%arg5 : memref<32768xf32, #tpu.memory_space<vmem>>) dst(%dma_wait3A_317 : memref<32768xf32, #tpu.memory_space<hbm>>)
    %dma_wait3A_318 = arith.constant 0 : i32
    %dma_wait3A_319 = tpu.memref_slice %arg3[%add3A_82, %dma_wait3A_318] : memref<1024x32768xf32, #tpu.memory_space<hbm>> -> memref<1x32768xf32, #tpu.memory_space<hbm>>
    %dma_wait3A_320 = tpu.memref_squeeze %dma_wait3A_319 : memref<1x32768xf32, #tpu.memory_space<hbm>> -> memref<32768xf32, #tpu.memory_space<hbm>>
    %dma_wait3A_321 = arith.constant 0 : i32
    %dma_wait3A_322 = tpu.memref_slice %arg3[%add3A_82, %dma_wait3A_321] : memref<1024x32768xf32, #tpu.memory_space<hbm>> -> memref<1x32768xf32, #tpu.memory_space<hbm>>
    %dma_wait3A_323 = tpu.memref_squeeze %dma_wait3A_322 : memref<1x32768xf32, #tpu.memory_space<hbm>> -> memref<32768xf32, #tpu.memory_space<hbm>>
    tpu.wait_dma2 semaphore(%arg7 : memref<!tpu.dma_semaphore, #tpu.memory_space<semaphore_mem>>) src(%arg5 : memref<32768xf32, #tpu.memory_space<vmem>>) dst(%dma_wait3A_323 : memref<32768xf32, #tpu.memory_space<hbm>>)
    %dma_wait3A_324 = arith.constant 0 : i32
    %dma_wait3A_325 = tpu.memref_slice %arg3[%add3A_90, %dma_wait3A_324] : memref<1024x32768xf32, #tpu.memory_space<hbm>> -> memref<1x32768xf32, #tpu.memory_space<hbm>>
    %dma_wait3A_326 = tpu.memref_squeeze %dma_wait3A_325 : memref<1x32768xf32, #tpu.memory_space<hbm>> -> memref<32768xf32, #tpu.memory_space<hbm>>
    %dma_wait3A_327 = arith.constant 0 : i32
    %dma_wait3A_328 = tpu.memref_slice %arg3[%add3A_90, %dma_wait3A_327] : memref<1024x32768xf32, #tpu.memory_space<hbm>> -> memref<1x32768xf32, #tpu.memory_space<hbm>>
    %dma_wait3A_329 = tpu.memref_squeeze %dma_wait3A_328 : memref<1x32768xf32, #tpu.memory_space<hbm>> -> memref<32768xf32, #tpu.memory_space<hbm>>
    tpu.wait_dma2 semaphore(%arg7 : memref<!tpu.dma_semaphore, #tpu.memory_space<semaphore_mem>>) src(%arg5 : memref<32768xf32, #tpu.memory_space<vmem>>) dst(%dma_wait3A_329 : memref<32768xf32, #tpu.memory_space<hbm>>)
    %dma_wait3A_330 = arith.constant 0 : i32
    %dma_wait3A_331 = tpu.memref_slice %arg3[%add3A_98, %dma_wait3A_330] : memref<1024x32768xf32, #tpu.memory_space<hbm>> -> memref<1x32768xf32, #tpu.memory_space<hbm>>
    %dma_wait3A_332 = tpu.memref_squeeze %dma_wait3A_331 : memref<1x32768xf32, #tpu.memory_space<hbm>> -> memref<32768xf32, #tpu.memory_space<hbm>>
    %dma_wait3A_333 = arith.constant 0 : i32
    %dma_wait3A_334 = tpu.memref_slice %arg3[%add3A_98, %dma_wait3A_333] : memref<1024x32768xf32, #tpu.memory_space<hbm>> -> memref<1x32768xf32, #tpu.memory_space<hbm>>
    %dma_wait3A_335 = tpu.memref_squeeze %dma_wait3A_334 : memref<1x32768xf32, #tpu.memory_space<hbm>> -> memref<32768xf32, #tpu.memory_space<hbm>>
    tpu.wait_dma2 semaphore(%arg7 : memref<!tpu.dma_semaphore, #tpu.memory_space<semaphore_mem>>) src(%arg5 : memref<32768xf32, #tpu.memory_space<vmem>>) dst(%dma_wait3A_335 : memref<32768xf32, #tpu.memory_space<hbm>>)
    %dma_wait3A_336 = arith.constant 0 : i32
    %dma_wait3A_337 = tpu.memref_slice %arg3[%add3A_106, %dma_wait3A_336] : memref<1024x32768xf32, #tpu.memory_space<hbm>> -> memref<1x32768xf32, #tpu.memory_space<hbm>>
    %dma_wait3A_338 = tpu.memref_squeeze %dma_wait3A_337 : memref<1x32768xf32, #tpu.memory_space<hbm>> -> memref<32768xf32, #tpu.memory_space<hbm>>
    %dma_wait3A_339 = arith.constant 0 : i32
    %dma_wait3A_340 = tpu.memref_slice %arg3[%add3A_106, %dma_wait3A_339] : memref<1024x32768xf32, #tpu.memory_space<hbm>> -> memref<1x32768xf32, #tpu.memory_space<hbm>>
    %dma_wait3A_341 = tpu.memref_squeeze %dma_wait3A_340 : memref<1x32768xf32, #tpu.memory_space<hbm>> -> memref<32768xf32, #tpu.memory_space<hbm>>
    tpu.wait_dma2 semaphore(%arg7 : memref<!tpu.dma_semaphore, #tpu.memory_space<semaphore_mem>>) src(%arg5 : memref<32768xf32, #tpu.memory_space<vmem>>) dst(%dma_wait3A_341 : memref<32768xf32, #tpu.memory_space<hbm>>)
    %dma_wait3A_342 = arith.constant 0 : i32
    %dma_wait3A_343 = tpu.memref_slice %arg3[%add3A_114, %dma_wait3A_342] : memref<1024x32768xf32, #tpu.memory_space<hbm>> -> memref<1x32768xf32, #tpu.memory_space<hbm>>
    %dma_wait3A_344 = tpu.memref_squeeze %dma_wait3A_343 : memref<1x32768xf32, #tpu.memory_space<hbm>> -> memref<32768xf32, #tpu.memory_space<hbm>>
    %dma_wait3A_345 = arith.constant 0 : i32
    %dma_wait3A_346 = tpu.memref_slice %arg3[%add3A_114, %dma_wait3A_345] : memref<1024x32768xf32, #tpu.memory_space<hbm>> -> memref<1x32768xf32, #tpu.memory_space<hbm>>
    %dma_wait3A_347 = tpu.memref_squeeze %dma_wait3A_346 : memref<1x32768xf32, #tpu.memory_space<hbm>> -> memref<32768xf32, #tpu.memory_space<hbm>>
    tpu.wait_dma2 semaphore(%arg7 : memref<!tpu.dma_semaphore, #tpu.memory_space<semaphore_mem>>) src(%arg5 : memref<32768xf32, #tpu.memory_space<vmem>>) dst(%dma_wait3A_347 : memref<32768xf32, #tpu.memory_space<hbm>>)
    %dma_wait3A_348 = arith.constant 0 : i32
    %dma_wait3A_349 = tpu.memref_slice %arg3[%add3A_122, %dma_wait3A_348] : memref<1024x32768xf32, #tpu.memory_space<hbm>> -> memref<1x32768xf32, #tpu.memory_space<hbm>>
    %dma_wait3A_350 = tpu.memref_squeeze %dma_wait3A_349 : memref<1x32768xf32, #tpu.memory_space<hbm>> -> memref<32768xf32, #tpu.memory_space<hbm>>
    %dma_wait3A_351 = arith.constant 0 : i32
    %dma_wait3A_352 = tpu.memref_slice %arg3[%add3A_122, %dma_wait3A_351] : memref<1024x32768xf32, #tpu.memory_space<hbm>> -> memref<1x32768xf32, #tpu.memory_space<hbm>>
    %dma_wait3A_353 = tpu.memref_squeeze %dma_wait3A_352 : memref<1x32768xf32, #tpu.memory_space<hbm>> -> memref<32768xf32, #tpu.memory_space<hbm>>
    tpu.wait_dma2 semaphore(%arg7 : memref<!tpu.dma_semaphore, #tpu.memory_space<semaphore_mem>>) src(%arg5 : memref<32768xf32, #tpu.memory_space<vmem>>) dst(%dma_wait3A_353 : memref<32768xf32, #tpu.memory_space<hbm>>)
    %dma_wait3A_354 = arith.constant 0 : i32
    %dma_wait3A_355 = tpu.memref_slice %arg3[%add3A_130, %dma_wait3A_354] : memref<1024x32768xf32, #tpu.memory_space<hbm>> -> memref<1x32768xf32, #tpu.memory_space<hbm>>
    %dma_wait3A_356 = tpu.memref_squeeze %dma_wait3A_355 : memref<1x32768xf32, #tpu.memory_space<hbm>> -> memref<32768xf32, #tpu.memory_space<hbm>>
    %dma_wait3A_357 = arith.constant 0 : i32
    %dma_wait3A_358 = tpu.memref_slice %arg3[%add3A_130, %dma_wait3A_357] : memref<1024x32768xf32, #tpu.memory_space<hbm>> -> memref<1x32768xf32, #tpu.memory_space<hbm>>
    %dma_wait3A_359 = tpu.memref_squeeze %dma_wait3A_358 : memref<1x32768xf32, #tpu.memory_space<hbm>> -> memref<32768xf32, #tpu.memory_space<hbm>>
    tpu.wait_dma2 semaphore(%arg7 : memref<!tpu.dma_semaphore, #tpu.memory_space<semaphore_mem>>) src(%arg5 : memref<32768xf32, #tpu.memory_space<vmem>>) dst(%dma_wait3A_359 : memref<32768xf32, #tpu.memory_space<hbm>>)
    %dma_wait3A_360 = arith.constant 0 : i32
    %dma_wait3A_361 = tpu.memref_slice %arg3[%add3A_138, %dma_wait3A_360] : memref<1024x32768xf32, #tpu.memory_space<hbm>> -> memref<1x32768xf32, #tpu.memory_space<hbm>>
    %dma_wait3A_362 = tpu.memref_squeeze %dma_wait3A_361 : memref<1x32768xf32, #tpu.memory_space<hbm>> -> memref<32768xf32, #tpu.memory_space<hbm>>
    %dma_wait3A_363 = arith.constant 0 : i32
    %dma_wait3A_364 = tpu.memref_slice %arg3[%add3A_138, %dma_wait3A_363] : memref<1024x32768xf32, #tpu.memory_space<hbm>> -> memref<1x32768xf32, #tpu.memory_space<hbm>>
    %dma_wait3A_365 = tpu.memref_squeeze %dma_wait3A_364 : memref<1x32768xf32, #tpu.memory_space<hbm>> -> memref<32768xf32, #tpu.memory_space<hbm>>
    tpu.wait_dma2 semaphore(%arg7 : memref<!tpu.dma_semaphore, #tpu.memory_space<semaphore_mem>>) src(%arg5 : memref<32768xf32, #tpu.memory_space<vmem>>) dst(%dma_wait3A_365 : memref<32768xf32, #tpu.memory_space<hbm>>)
    %dma_wait3A_366 = arith.constant 0 : i32
    %dma_wait3A_367 = tpu.memref_slice %arg3[%add3A_146, %dma_wait3A_366] : memref<1024x32768xf32, #tpu.memory_space<hbm>> -> memref<1x32768xf32, #tpu.memory_space<hbm>>
    %dma_wait3A_368 = tpu.memref_squeeze %dma_wait3A_367 : memref<1x32768xf32, #tpu.memory_space<hbm>> -> memref<32768xf32, #tpu.memory_space<hbm>>
    %dma_wait3A_369 = arith.constant 0 : i32
    %dma_wait3A_370 = tpu.memref_slice %arg3[%add3A_146, %dma_wait3A_369] : memref<1024x32768xf32, #tpu.memory_space<hbm>> -> memref<1x32768xf32, #tpu.memory_space<hbm>>
    %dma_wait3A_371 = tpu.memref_squeeze %dma_wait3A_370 : memref<1x32768xf32, #tpu.memory_space<hbm>> -> memref<32768xf32, #tpu.memory_space<hbm>>
    tpu.wait_dma2 semaphore(%arg7 : memref<!tpu.dma_semaphore, #tpu.memory_space<semaphore_mem>>) src(%arg5 : memref<32768xf32, #tpu.memory_space<vmem>>) dst(%dma_wait3A_371 : memref<32768xf32, #tpu.memory_space<hbm>>)
    %dma_wait3A_372 = arith.constant 0 : i32
    %dma_wait3A_373 = tpu.memref_slice %arg3[%add3A_154, %dma_wait3A_372] : memref<1024x32768xf32, #tpu.memory_space<hbm>> -> memref<1x32768xf32, #tpu.memory_space<hbm>>
    %dma_wait3A_374 = tpu.memref_squeeze %dma_wait3A_373 : memref<1x32768xf32, #tpu.memory_space<hbm>> -> memref<32768xf32, #tpu.memory_space<hbm>>
    %dma_wait3A_375 = arith.constant 0 : i32
    %dma_wait3A_376 = tpu.memref_slice %arg3[%add3A_154, %dma_wait3A_375] : memref<1024x32768xf32, #tpu.memory_space<hbm>> -> memref<1x32768xf32, #tpu.memory_space<hbm>>
    %dma_wait3A_377 = tpu.memref_squeeze %dma_wait3A_376 : memref<1x32768xf32, #tpu.memory_space<hbm>> -> memref<32768xf32, #tpu.memory_space<hbm>>
    tpu.wait_dma2 semaphore(%arg7 : memref<!tpu.dma_semaphore, #tpu.memory_space<semaphore_mem>>) src(%arg5 : memref<32768xf32, #tpu.memory_space<vmem>>) dst(%dma_wait3A_377 : memref<32768xf32, #tpu.memory_space<hbm>>)
    %dma_wait3A_378 = arith.constant 0 : i32
    %dma_wait3A_379 = tpu.memref_slice %arg3[%add3A_162, %dma_wait3A_378] : memref<1024x32768xf32, #tpu.memory_space<hbm>> -> memref<1x32768xf32, #tpu.memory_space<hbm>>
    %dma_wait3A_380 = tpu.memref_squeeze %dma_wait3A_379 : memref<1x32768xf32, #tpu.memory_space<hbm>> -> memref<32768xf32, #tpu.memory_space<hbm>>
    %dma_wait3A_381 = arith.constant 0 : i32
    %dma_wait3A_382 = tpu.memref_slice %arg3[%add3A_162, %dma_wait3A_381] : memref<1024x32768xf32, #tpu.memory_space<hbm>> -> memref<1x32768xf32, #tpu.memory_space<hbm>>
    %dma_wait3A_383 = tpu.memref_squeeze %dma_wait3A_382 : memref<1x32768xf32, #tpu.memory_space<hbm>> -> memref<32768xf32, #tpu.memory_space<hbm>>
    tpu.wait_dma2 semaphore(%arg7 : memref<!tpu.dma_semaphore, #tpu.memory_space<semaphore_mem>>) src(%arg5 : memref<32768xf32, #tpu.memory_space<vmem>>) dst(%dma_wait3A_383 : memref<32768xf32, #tpu.memory_space<hbm>>)
    %dma_wait3A_384 = arith.constant 0 : i32
    %dma_wait3A_385 = tpu.memref_slice %arg3[%add3A_170, %dma_wait3A_384] : memref<1024x32768xf32, #tpu.memory_space<hbm>> -> memref<1x32768xf32, #tpu.memory_space<hbm>>
    %dma_wait3A_386 = tpu.memref_squeeze %dma_wait3A_385 : memref<1x32768xf32, #tpu.memory_space<hbm>> -> memref<32768xf32, #tpu.memory_space<hbm>>
    %dma_wait3A_387 = arith.constant 0 : i32
    %dma_wait3A_388 = tpu.memref_slice %arg3[%add3A_170, %dma_wait3A_387] : memref<1024x32768xf32, #tpu.memory_space<hbm>> -> memref<1x32768xf32, #tpu.memory_space<hbm>>
    %dma_wait3A_389 = tpu.memref_squeeze %dma_wait3A_388 : memref<1x32768xf32, #tpu.memory_space<hbm>> -> memref<32768xf32, #tpu.memory_space<hbm>>
    tpu.wait_dma2 semaphore(%arg7 : memref<!tpu.dma_semaphore, #tpu.memory_space<semaphore_mem>>) src(%arg5 : memref<32768xf32, #tpu.memory_space<vmem>>) dst(%dma_wait3A_389 : memref<32768xf32, #tpu.memory_space<hbm>>)
    %dma_wait3A_390 = arith.constant 0 : i32
    %dma_wait3A_391 = tpu.memref_slice %arg3[%add3A_178, %dma_wait3A_390] : memref<1024x32768xf32, #tpu.memory_space<hbm>> -> memref<1x32768xf32, #tpu.memory_space<hbm>>
    %dma_wait3A_392 = tpu.memref_squeeze %dma_wait3A_391 : memref<1x32768xf32, #tpu.memory_space<hbm>> -> memref<32768xf32, #tpu.memory_space<hbm>>
    %dma_wait3A_393 = arith.constant 0 : i32
    %dma_wait3A_394 = tpu.memref_slice %arg3[%add3A_178, %dma_wait3A_393] : memref<1024x32768xf32, #tpu.memory_space<hbm>> -> memref<1x32768xf32, #tpu.memory_space<hbm>>
    %dma_wait3A_395 = tpu.memref_squeeze %dma_wait3A_394 : memref<1x32768xf32, #tpu.memory_space<hbm>> -> memref<32768xf32, #tpu.memory_space<hbm>>
    tpu.wait_dma2 semaphore(%arg7 : memref<!tpu.dma_semaphore, #tpu.memory_space<semaphore_mem>>) src(%arg5 : memref<32768xf32, #tpu.memory_space<vmem>>) dst(%dma_wait3A_395 : memref<32768xf32, #tpu.memory_space<hbm>>)
    %dma_wait3A_396 = arith.constant 0 : i32
    %dma_wait3A_397 = tpu.memref_slice %arg3[%add3A_186, %dma_wait3A_396] : memref<1024x32768xf32, #tpu.memory_space<hbm>> -> memref<1x32768xf32, #tpu.memory_space<hbm>>
    %dma_wait3A_398 = tpu.memref_squeeze %dma_wait3A_397 : memref<1x32768xf32, #tpu.memory_space<hbm>> -> memref<32768xf32, #tpu.memory_space<hbm>>
    %dma_wait3A_399 = arith.constant 0 : i32
    %dma_wait3A_400 = tpu.memref_slice %arg3[%add3A_186, %dma_wait3A_399] : memref<1024x32768xf32, #tpu.memory_space<hbm>> -> memref<1x32768xf32, #tpu.memory_space<hbm>>
    %dma_wait3A_401 = tpu.memref_squeeze %dma_wait3A_400 : memref<1x32768xf32, #tpu.memory_space<hbm>> -> memref<32768xf32, #tpu.memory_space<hbm>>
    tpu.wait_dma2 semaphore(%arg7 : memref<!tpu.dma_semaphore, #tpu.memory_space<semaphore_mem>>) src(%arg5 : memref<32768xf32, #tpu.memory_space<vmem>>) dst(%dma_wait3A_401 : memref<32768xf32, #tpu.memory_space<hbm>>)
    %dma_wait3A_402 = arith.constant 0 : i32
    %dma_wait3A_403 = tpu.memref_slice %arg3[%add3A_194, %dma_wait3A_402] : memref<1024x32768xf32, #tpu.memory_space<hbm>> -> memref<1x32768xf32, #tpu.memory_space<hbm>>
    %dma_wait3A_404 = tpu.memref_squeeze %dma_wait3A_403 : memref<1x32768xf32, #tpu.memory_space<hbm>> -> memref<32768xf32, #tpu.memory_space<hbm>>
    %dma_wait3A_405 = arith.constant 0 : i32
    %dma_wait3A_406 = tpu.memref_slice %arg3[%add3A_194, %dma_wait3A_405] : memref<1024x32768xf32, #tpu.memory_space<hbm>> -> memref<1x32768xf32, #tpu.memory_space<hbm>>
    %dma_wait3A_407 = tpu.memref_squeeze %dma_wait3A_406 : memref<1x32768xf32, #tpu.memory_space<hbm>> -> memref<32768xf32, #tpu.memory_space<hbm>>
    tpu.wait_dma2 semaphore(%arg7 : memref<!tpu.dma_semaphore, #tpu.memory_space<semaphore_mem>>) src(%arg5 : memref<32768xf32, #tpu.memory_space<vmem>>) dst(%dma_wait3A_407 : memref<32768xf32, #tpu.memory_space<hbm>>)
    %dma_wait3A_408 = arith.constant 0 : i32
    %dma_wait3A_409 = tpu.memref_slice %arg3[%add3A_202, %dma_wait3A_408] : memref<1024x32768xf32, #tpu.memory_space<hbm>> -> memref<1x32768xf32, #tpu.memory_space<hbm>>
    %dma_wait3A_410 = tpu.memref_squeeze %dma_wait3A_409 : memref<1x32768xf32, #tpu.memory_space<hbm>> -> memref<32768xf32, #tpu.memory_space<hbm>>
    %dma_wait3A_411 = arith.constant 0 : i32
    %dma_wait3A_412 = tpu.memref_slice %arg3[%add3A_202, %dma_wait3A_411] : memref<1024x32768xf32, #tpu.memory_space<hbm>> -> memref<1x32768xf32, #tpu.memory_space<hbm>>
    %dma_wait3A_413 = tpu.memref_squeeze %dma_wait3A_412 : memref<1x32768xf32, #tpu.memory_space<hbm>> -> memref<32768xf32, #tpu.memory_space<hbm>>
    tpu.wait_dma2 semaphore(%arg7 : memref<!tpu.dma_semaphore, #tpu.memory_space<semaphore_mem>>) src(%arg5 : memref<32768xf32, #tpu.memory_space<vmem>>) dst(%dma_wait3A_413 : memref<32768xf32, #tpu.memory_space<hbm>>)
    %dma_wait3A_414 = arith.constant 0 : i32
    %dma_wait3A_415 = tpu.memref_slice %arg3[%add3A_210, %dma_wait3A_414] : memref<1024x32768xf32, #tpu.memory_space<hbm>> -> memref<1x32768xf32, #tpu.memory_space<hbm>>
    %dma_wait3A_416 = tpu.memref_squeeze %dma_wait3A_415 : memref<1x32768xf32, #tpu.memory_space<hbm>> -> memref<32768xf32, #tpu.memory_space<hbm>>
    %dma_wait3A_417 = arith.constant 0 : i32
    %dma_wait3A_418 = tpu.memref_slice %arg3[%add3A_210, %dma_wait3A_417] : memref<1024x32768xf32, #tpu.memory_space<hbm>> -> memref<1x32768xf32, #tpu.memory_space<hbm>>
    %dma_wait3A_419 = tpu.memref_squeeze %dma_wait3A_418 : memref<1x32768xf32, #tpu.memory_space<hbm>> -> memref<32768xf32, #tpu.memory_space<hbm>>
    tpu.wait_dma2 semaphore(%arg7 : memref<!tpu.dma_semaphore, #tpu.memory_space<semaphore_mem>>) src(%arg5 : memref<32768xf32, #tpu.memory_space<vmem>>) dst(%dma_wait3A_419 : memref<32768xf32, #tpu.memory_space<hbm>>)
    %dma_wait3A_420 = arith.constant 0 : i32
    %dma_wait3A_421 = tpu.memref_slice %arg3[%add3A_218, %dma_wait3A_420] : memref<1024x32768xf32, #tpu.memory_space<hbm>> -> memref<1x32768xf32, #tpu.memory_space<hbm>>
    %dma_wait3A_422 = tpu.memref_squeeze %dma_wait3A_421 : memref<1x32768xf32, #tpu.memory_space<hbm>> -> memref<32768xf32, #tpu.memory_space<hbm>>
    %dma_wait3A_423 = arith.constant 0 : i32
    %dma_wait3A_424 = tpu.memref_slice %arg3[%add3A_218, %dma_wait3A_423] : memref<1024x32768xf32, #tpu.memory_space<hbm>> -> memref<1x32768xf32, #tpu.memory_space<hbm>>
    %dma_wait3A_425 = tpu.memref_squeeze %dma_wait3A_424 : memref<1x32768xf32, #tpu.memory_space<hbm>> -> memref<32768xf32, #tpu.memory_space<hbm>>
    tpu.wait_dma2 semaphore(%arg7 : memref<!tpu.dma_semaphore, #tpu.memory_space<semaphore_mem>>) src(%arg5 : memref<32768xf32, #tpu.memory_space<vmem>>) dst(%dma_wait3A_425 : memref<32768xf32, #tpu.memory_space<hbm>>)
    %dma_wait3A_426 = arith.constant 0 : i32
    %dma_wait3A_427 = tpu.memref_slice %arg3[%add3A_226, %dma_wait3A_426] : memref<1024x32768xf32, #tpu.memory_space<hbm>> -> memref<1x32768xf32, #tpu.memory_space<hbm>>
    %dma_wait3A_428 = tpu.memref_squeeze %dma_wait3A_427 : memref<1x32768xf32, #tpu.memory_space<hbm>> -> memref<32768xf32, #tpu.memory_space<hbm>>
    %dma_wait3A_429 = arith.constant 0 : i32
    %dma_wait3A_430 = tpu.memref_slice %arg3[%add3A_226, %dma_wait3A_429] : memref<1024x32768xf32, #tpu.memory_space<hbm>> -> memref<1x32768xf32, #tpu.memory_space<hbm>>
    %dma_wait3A_431 = tpu.memref_squeeze %dma_wait3A_430 : memref<1x32768xf32, #tpu.memory_space<hbm>> -> memref<32768xf32, #tpu.memory_space<hbm>>
    tpu.wait_dma2 semaphore(%arg7 : memref<!tpu.dma_semaphore, #tpu.memory_space<semaphore_mem>>) src(%arg5 : memref<32768xf32, #tpu.memory_space<vmem>>) dst(%dma_wait3A_431 : memref<32768xf32, #tpu.memory_space<hbm>>)
    %dma_wait3A_432 = arith.constant 0 : i32
    %dma_wait3A_433 = tpu.memref_slice %arg3[%add3A_234, %dma_wait3A_432] : memref<1024x32768xf32, #tpu.memory_space<hbm>> -> memref<1x32768xf32, #tpu.memory_space<hbm>>
    %dma_wait3A_434 = tpu.memref_squeeze %dma_wait3A_433 : memref<1x32768xf32, #tpu.memory_space<hbm>> -> memref<32768xf32, #tpu.memory_space<hbm>>
    %dma_wait3A_435 = arith.constant 0 : i32
    %dma_wait3A_436 = tpu.memref_slice %arg3[%add3A_234, %dma_wait3A_435] : memref<1024x32768xf32, #tpu.memory_space<hbm>> -> memref<1x32768xf32, #tpu.memory_space<hbm>>
    %dma_wait3A_437 = tpu.memref_squeeze %dma_wait3A_436 : memref<1x32768xf32, #tpu.memory_space<hbm>> -> memref<32768xf32, #tpu.memory_space<hbm>>
    tpu.wait_dma2 semaphore(%arg7 : memref<!tpu.dma_semaphore, #tpu.memory_space<semaphore_mem>>) src(%arg5 : memref<32768xf32, #tpu.memory_space<vmem>>) dst(%dma_wait3A_437 : memref<32768xf32, #tpu.memory_space<hbm>>)
    %dma_wait3A_438 = arith.constant 0 : i32
    %dma_wait3A_439 = tpu.memref_slice %arg3[%add3A_242, %dma_wait3A_438] : memref<1024x32768xf32, #tpu.memory_space<hbm>> -> memref<1x32768xf32, #tpu.memory_space<hbm>>
    %dma_wait3A_440 = tpu.memref_squeeze %dma_wait3A_439 : memref<1x32768xf32, #tpu.memory_space<hbm>> -> memref<32768xf32, #tpu.memory_space<hbm>>
    %dma_wait3A_441 = arith.constant 0 : i32
    %dma_wait3A_442 = tpu.memref_slice %arg3[%add3A_242, %dma_wait3A_441] : memref<1024x32768xf32, #tpu.memory_space<hbm>> -> memref<1x32768xf32, #tpu.memory_space<hbm>>
    %dma_wait3A_443 = tpu.memref_squeeze %dma_wait3A_442 : memref<1x32768xf32, #tpu.memory_space<hbm>> -> memref<32768xf32, #tpu.memory_space<hbm>>
    tpu.wait_dma2 semaphore(%arg7 : memref<!tpu.dma_semaphore, #tpu.memory_space<semaphore_mem>>) src(%arg5 : memref<32768xf32, #tpu.memory_space<vmem>>) dst(%dma_wait3A_443 : memref<32768xf32, #tpu.memory_space<hbm>>)
    %dma_wait3A_444 = arith.constant 0 : i32
    %dma_wait3A_445 = tpu.memref_slice %arg3[%add3A_250, %dma_wait3A_444] : memref<1024x32768xf32, #tpu.memory_space<hbm>> -> memref<1x32768xf32, #tpu.memory_space<hbm>>
    %dma_wait3A_446 = tpu.memref_squeeze %dma_wait3A_445 : memref<1x32768xf32, #tpu.memory_space<hbm>> -> memref<32768xf32, #tpu.memory_space<hbm>>
    %dma_wait3A_447 = arith.constant 0 : i32
    %dma_wait3A_448 = tpu.memref_slice %arg3[%add3A_250, %dma_wait3A_447] : memref<1024x32768xf32, #tpu.memory_space<hbm>> -> memref<1x32768xf32, #tpu.memory_space<hbm>>
    %dma_wait3A_449 = tpu.memref_squeeze %dma_wait3A_448 : memref<1x32768xf32, #tpu.memory_space<hbm>> -> memref<32768xf32, #tpu.memory_space<hbm>>
    tpu.wait_dma2 semaphore(%arg7 : memref<!tpu.dma_semaphore, #tpu.memory_space<semaphore_mem>>) src(%arg5 : memref<32768xf32, #tpu.memory_space<vmem>>) dst(%dma_wait3A_449 : memref<32768xf32, #tpu.memory_space<hbm>>)
    %dma_wait3A_450 = arith.constant 0 : i32
    %dma_wait3A_451 = tpu.memref_slice %arg3[%add3A_258, %dma_wait3A_450] : memref<1024x32768xf32, #tpu.memory_space<hbm>> -> memref<1x32768xf32, #tpu.memory_space<hbm>>
    %dma_wait3A_452 = tpu.memref_squeeze %dma_wait3A_451 : memref<1x32768xf32, #tpu.memory_space<hbm>> -> memref<32768xf32, #tpu.memory_space<hbm>>
    %dma_wait3A_453 = arith.constant 0 : i32
    %dma_wait3A_454 = tpu.memref_slice %arg3[%add3A_258, %dma_wait3A_453] : memref<1024x32768xf32, #tpu.memory_space<hbm>> -> memref<1x32768xf32, #tpu.memory_space<hbm>>
    %dma_wait3A_455 = tpu.memref_squeeze %dma_wait3A_454 : memref<1x32768xf32, #tpu.memory_space<hbm>> -> memref<32768xf32, #tpu.memory_space<hbm>>
    tpu.wait_dma2 semaphore(%arg7 : memref<!tpu.dma_semaphore, #tpu.memory_space<semaphore_mem>>) src(%arg5 : memref<32768xf32, #tpu.memory_space<vmem>>) dst(%dma_wait3A_455 : memref<32768xf32, #tpu.memory_space<hbm>>)
    return
  }
}

</mosaic_0001>

<sc_bundles>
// kernel: kernel.3.cloned.1.call-start
scs
__scs_entry_jumppad:
0x0: {  	(pc) =	sbr.rel $0x88, $3  }
0x1: {  	(tag) =	ssettag $0x0;
	lr =	simm.s32 $0x1  }
0x2: {  	[smem:$0x3FA0] =	sst lr;
	_ =	strace $0xD0000000  }
0x3: {  	_ = 	snop  }
0x4: {  	_ = 	snop  }
0x5: {  	_ = 	snop  }
0x6: {  	_ = 	snop  }
0x7: {  	_ = 	snop  }
__scs_overlays_trampoline_lowered:
0x8: {  	[smem:$0x3FAF] =	sst s0  }
0x9: {  	[smem:$0x3FB0] =	sst s1  }
0xa: {  	[smem:$0x3FB1] =	sst s2  }
0xb: {  	[smem:$0x3FB2] =	sst s3  }
0xc: {  	[smem:$0x3FB3] =	sst s4  }
0xd: {  	[smem:$0x3FB4] =	sst s5  }
0xe: {  	[smem:$0x3FB5] =	sst s6  }
0xf: {  	[smem:$0x3FB6] =	sst s7  }
0x10: {  	[smem:$0x3FB7] =	sst s8  }
0x11: {  	[smem:$0x3FB8] =	sst s9;
	s0 =	simm.s32 @!p0 $0x0  }
0x12: {  	s1 =	sld [smem:$0x3F9E];
	s0 =	simm.s32 @p0 $0x1  }
0x13: {  	[smem:$0x3FB9] =	sst s0;
	s0 =	simm.s32 @!p1 $0x0  }
0x14: {  	s2 =	sld [smem:$0x3F9D];
	s0 =	simm.s32 @p1 $0x1  }
0x15: {  	[smem:$0x3FBA] =	sst s0;
	s0 =	simm.s32 @!p2 $0x0  }
0x16: {  	s3 =	sld [smem:$0x3FDB];
	s0 =	simm.s32 @p2 $0x1  }
0x17: {  	s4 =	simm.s32 $0x1BF5;
	[smem:$0x3FBC] =	sst s0  }
0x18: {  	s0 =	sld [smem:$0x3F9F];
	_ =	swait.ge [sflag:s4], $0x0  }
0x19: {  	s7 =	sld [smem:$0x3FA0]  }
0x1a: {  	s8 =	sadd.s32 $0xFFFFE003, lr  }
0x1b: {  	s9 =	sadd.s32 $0xFFFFFEF7, lr;
	s5 =	simm.s32 $0xFFFFFFFF;
	p2 =	slt.u32 s8, $0xFFFFF086  }
0x1c: {  	p1 =	slt.u32 s9, $0xF7A;
	s5 =	simm.s32 @!p2 $0x0  }
0x1d: {  	s5 =	simm.s32 @p1 $0x1;
	p0 =	seq.s32 s7, s2  }
0x1e: {  	s7 =	smul.u32 @!p0 $0xF7A, s2;
	p2 =	seq.s32 @!p0 s5, $0x0  }
0x1f: {  	s9 =	smul.u32 $0xF7A, s1;
	s8 =	simm.s32 @!p0 $0x1BF5;
	p2 =	por !p2, p0  }
0x20: {  	[sflag:s8] =	ssyncset.s32 @!p0 $0xFFFFF086;
	s6 =	sadd.s32 @!p0 s3, s7;
	s7 =	simm.s32 @!p0 $0x108  }
0x21: {  	s3 =	sadd.s32 s3, s9;
	s6 =	sadd.s32 @!p0 $0x88, s6;
	s7 =	simm.s32 @p2 $0x1082  }
0x22: {  	[simem:s7], [sflag:s8] =	dma.local @!p0 [hbm:s6], $0xF7A  }
0x23: {  	s9 =	sor.u32 $0xD0000000, s2;
	s6 =	simm.s32 $0x108;
	_ =	swait.ge @!p0 [sflag:s8], $0x0  }
0x24: {  	s3 =	sadd.s32 $0x88, s3;
	s6 =	simm.s32 @!p1 $0x1082;
	[sflag:s4] =	ssyncset.s32 $0xFFFFF086  }
0x25: {  	[simem:s6], [sflag:s4] =	dma.local [hbm:s3], $0xF7A  }
0x26: {  	[smem:$0x3FA0] =	sst s1;
	(tag) =	ssettag s2;
	_ =	strace s9  }
0x27: {  	s1 =	sld [smem:$0x3FB0]  }
0x28: {  	s2 =	sld [smem:$0x3FB1]  }
0x29: {  	s4 =	sld [smem:$0x3FB3]  }
0x2a: {  	p0 =	seq.s32 s5, $0x0;
	s5 =	sld [smem:$0x3FB4]  }
0x2b: {  	s6 =	sld [smem:$0x3FB5]  }
0x2c: {  	s7 =	sld [smem:$0x3FB6]  }
0x2d: {  	s3 =	simm.s32 $0x108;
	s8 =	sld [smem:$0x3FB7]  }
0x2e: {  	s3 =	simm.s32 @!p0 $0x1082;
	s9 =	sld [smem:$0x3FB8]  }
0x2f: {  	lr =	sadd.s32 s0, s3;
	s0 =	sld [smem:$0x3FAF]  }
0x30: {  	s3 =	sld [smem:$0x3FB2]  }
0x31: {  	[smem:$0x3FBB] =	sst s10  }
0x32: {  	s10 =	sld [smem:$0x3FB9];
	_ =	sdelay $0x3  }
0x33: {  	p0 =	seq.s32 s10, $0x1;
	s10 =	sld [smem:$0x3FBB];
	_ =	sdelay $0x3  }
0x34: {  	[smem:$0x3FBB] =	sst s10  }
0x35: {  	s10 =	sld [smem:$0x3FBA];
	_ =	sdelay $0x3  }
0x36: {  	p1 =	seq.s32 s10, $0x1;
	s10 =	sld [smem:$0x3FBB];
	_ =	sdelay $0x3  }
0x37: {  	[smem:$0x3FBB] =	sst s10  }
0x38: {  	s10 =	sld [smem:$0x3FBC]  }
0x39: {  	_ = 	snop;
	(pc) =	sbr.ind lr, $3  }
0x3a: {  	_ = 	snop  }
0x3b: {  	_ = 	snop  }
0x3c: {  	p2 =	seq.s32 s10, $0x1;
	s10 =	sld [smem:$0x3FBB]  }
0x3d: {  	_ =	shalt  }
0x3e: {  	_ =	shalt  }
0x3f: {  	_ =	shalt  }
0x40: {  	_ =	shalt  }
0x41: {  	_ =	shalt  }
0x42: {  	_ =	shalt  }
0x43: {  	_ =	shalt  }
0x44: {  	_ =	shalt  }
0x45: {  	_ =	shalt  }
0x46: {  	_ =	shalt  }
0x47: {  	_ =	shalt  }
0x48: {  	_ =	shalt  }
0x49: {  	_ =	shalt  }
0x4a: {  	_ =	shalt  }
0x4b: {  	_ =	shalt  }
0x4c: {  	_ =	shalt  }
0x4d: {  	_ =	shalt  }
0x4e: {  	_ =	shalt  }
0x4f: {  	_ =	shalt  }
0x50: {  	_ =	shalt  }
0x51: {  	_ =	shalt  }
0x52: {  	_ =	shalt  }
0x53: {  	_ =	shalt  }
0x54: {  	_ =	shalt  }
0x55: {  	_ =	shalt  }
0x56: {  	_ =	shalt  }
0x57: {  	_ =	shalt  }
0x58: {  	_ =	shalt  }
0x59: {  	_ =	shalt  }
0x5a: {  	_ =	shalt  }
0x5b: {  	_ =	shalt  }
0x5c: {  	_ =	shalt  }
0x5d: {  	_ =	shalt  }
0x5e: {  	_ =	shalt  }
0x5f: {  	_ =	shalt  }
0x60: {  	_ =	shalt  }
0x61: {  	_ =	shalt  }
0x62: {  	_ =	shalt  }
0x63: {  	_ =	shalt  }
0x64: {  	_ =	shalt  }
0x65: {  	_ =	shalt  }
0x66: {  	_ =	shalt  }
0x67: {  	_ =	shalt  }
0x68: {  	_ =	shalt  }
0x69: {  	_ =	shalt  }
0x6a: {  	_ =	shalt  }
0x6b: {  	_ =	shalt  }
0x6c: {  	_ =	shalt  }
0x6d: {  	_ =	shalt  }
0x6e: {  	_ =	shalt  }
0x6f: {  	_ =	shalt  }
0x70: {  	_ =	shalt  }
0x71: {  	_ =	shalt  }
0x72: {  	_ =	shalt  }
0x73: {  	_ =	shalt  }
0x74: {  	_ =	shalt  }
0x75: {  	_ =	shalt  }
0x76: {  	_ =	shalt  }
0x77: {  	_ =	shalt  }
0x78: {  	_ =	shalt  }
0x79: {  	_ =	shalt  }
0x7a: {  	_ =	shalt  }
0x7b: {  	_ =	shalt  }
0x7c: {  	_ =	shalt  }
0x7d: {  	_ =	shalt  }
0x7e: {  	_ =	shalt  }
0x7f: {  	_ =	shalt  }
0x80: {  	_ =	shalt  }
0x81: {  	_ =	shalt  }
0x82: {  	_ =	shalt  }
0x83: {  	_ =	shalt  }
0x84: {  	_ =	shalt  }
0x85: {  	_ =	shalt  }
0x86: {  	_ =	shalt  }
0x87: {  	_ =	shalt  }
.Lfunc_end0:
.L_simem_size_0:
called_computation_lowered:
.L_overlay_start_0:
0x88: {  	s2 =	sld [smem:$0x3FD9]  }
0x89: {  	s3 =	sld [smem:$0x3FFE];
	_ =	sdelay $0x1  }
0x8a: {  	s1 =	srdreg.scid  }
0x8b: {  	s0 =	sand.u32 $0x1, s1  }
0x8c: {  	s18 =	sshll.u32 s0, $0xA;
	s2 =	sadd.s32 s3, s2  }
0x8d: {  	s2 =	sadd.s32 s2, s18  }
0x8e: {  	[smem:$0x3FC7] =	sst s2  }
0x8f: {  	_ = 	snop  }
0x90: {  	s2 =	sld [smem:$0x3FC9]  }
0x91: {  	s19 =	sld [smem:$0x3FD0];
	(tm) =	ssettm $0x1  }
0x92: {  	s4 =	sld [smem:$0x3FFB];
	_ =	sdelay $0x3  }
0x93: {  	_ =	strace s4  }
0x94: {  	s4 =	sld [smem:$0x3FFC];
	_ =	sdelay $0x3  }
0x95: {  	_ =	strace s4  }
0x96: {  	s4 =	sld [smem:$0x3FFD];
	_ =	sdelay $0x3  }
0x97: {  	_ =	strace s4  }
0x98: {  	_ =	strace $0x8FFFFFFF  }
0x99: {  	s20 =	sld [smem:$0x3FDB];
	_ =	sdelay $0x1  }
0x9a: {  	s5 =	simm.s32 $_scs_section_size  }
0x9b: {  	s6 =	simm.s32 $_size__tile_overlayer_lowered;
	s7 =	simm.s32 $_tile_overlayer_lowered  }
0x9c: {  	s23 =	simm.s32 $0x1BFF;
	s22 =	sshll.u32 s7, $0x1;
	s4 =	sadd.s32 s5, s20  }
0x9d: {  	s8 =	simm.s32 $0x0;
	s21 =	sshll.u32 s6, $0x1;
	s6 =	sadd.s32 s22, s4  }
0x9e: {  	[timem:s8], [sflag:s23] =	dma.local [hbm:s6], s21  }
0x9f: {  	_ =	swait.ge [sflag:s23], s21  }
0xa0: {  	s5 =	ssub.s32 $0x0, s21;
	[sflag:s23] =	ssyncset.done $0x0  }
0xa1: {  	[sflag:s23] =	ssyncadd.s32 s5;
	_ =	sdelay $0x1  }
0xa2: {  	s24 =	simm.s32 $0x1B8B  }
0xa3: {  	_ =	swait.ge [sflag:s24], $0x1  }
0xa4: {  	[sflag:s24] =	ssyncset.done $0x0  }
0xa5: {  	s25 =	simm.s32 $0x1B8E;
	[sflag:s24] =	ssyncadd.s32 $0xFFFFFFFF  }
0xa6: {  	s26 =	simm.s32 $execute0_lowered;
	[smem:$0x3FD2] =	sst s25  }
0xa7: {  	s5 =	sshll.u32 s26, $0x1;
	_ =	strace $0x80000046;
	[dreg:$0x1] =	wrdreg $0xFFFFFFFF  }
0xa8: {  	s28 =	simm.s32 $_size_execute0_lowered;
	s4 =	sadd.s32 s4, s5;
	[dreg:$0x0] =	wrdreg $0x0  }
0xa9: {  	s5 =	sshll.u32 s28, $0x1;
	[dreg:$0x2] =	wrdreg s4  }
0xaa: {  	[dreg:$0x3] =	wrdreg s5  }
0xab: {  	[dreg:$0x4] =	wrdreg $0xC0  }
0xac: {  	_ =	task [dreg:s8], $0x5FFFF  }
0xad: {  	[dreg:$0x1] =	wrdreg $0xFFFFFFFF  }
0xae: {  	[dreg:$0x0] =	wrdreg $0x60  }
0xaf: {  	[dreg:$0x2] =	wrdreg s2  }
0xb0: {  	[dreg:$0x3] =	wrdreg s19  }
0xb1: {  	[dreg:$0x4] =	wrdreg $0x88000  }
0xb2: {  	[dreg:$0x5] =	wrdreg $0x9  }
0xb3: {  	_ =	task.clear_ibuf [dreg:s8], $0x6FFFF;
	_ =	strace $0x90000046  }
0xb4: {  	s29 =	simm.s32 $0x9;
	_ =	strace $0x80000048  }
0xb5: {  	_ =	swait.ge [sflag:s29], $0x1  }
0xb6: {  	[sflag:s29] =	ssyncadd.s32 $0xFFFFFFFF  }
0xb7: {  	_ =	strace $0x90000048  }
0xb8: {  	_ =	sfence  }
0xb9: {  	s30 =	sld [smem:$0x0];
	_ =	sdelay $0x2  }
0xba: {  	s31 =	sshll.u32 s1, $0xD;
	s1 =	sshrl.u32 s1, $0x2  }
0xbb: {  	s3 =	sand.u32 $0x4000, s31;
	s1 =	sadd.s32 s1, s30  }
0xbc: {  	s0 =	sor.u32 s3, s0;
	s1 =	sshll.u32 s1, $0x11  }
0xbd: {  	s0 =	sor.u32 s1, s0  }
0xbe: {  	s0 =	sadd.s32 $0x8F2B, s0  }
0xbf: {  	[sflag:s0] =	ssyncadd.remote.s32 $0x1  }
0xc0: {  	_ =	sfence.sel $0xFFFF  }
0xc1: {  	[dreg:$0x0] =	wrdreg $0xFFFFFFFF;
	(pc) =	sbr.abs _section_cstart, $3  }
0xc2: {  	[dreg:$0x1] =	wrdreg $0xFFFFFFFF  }
0xc3: {  	_ =	task.clear_ibuf [dreg:s8], $0x2FFFF;
	_ =	strace $0x9FFFFFFF  }
0xc4: {  	(tm) =	ssettm $0x7FFFFFFF  }
0xc5: {  	_ =	shalt  }
tec
execute0_lowered:
.L_overlay_start_1:
0x0: {  	(tag) =	ssettag $0x1  }
0x1: {  	s0 =	rddreg [dreg:$0x0]  }
0x2: {  	s1 =	rddreg [dreg:$0x1]  }
0x3: {  	s6 =	rddreg [dreg:$0x2];
	s16 =	simm.s32 $0x0  }
0x4: {  	s2 =	srdreg.scid;
	s7 =	stileid.u32;
	s9 =	simm.s32 $0x2  }
0x5: {  	s10 =	simm.s32 $0x800;
	s11 =	simm.s32 $0x80;
	s12 =	simm.s32 $0x400  }
0x6: {  	s13 =	simm.s32 $0x1;
	[smem:$0x7FF] =	sst s16;
	s2 =	sand.u32 $0x1, s2  }
0x7: {  	s5 =	sshll.u32 s7, $0x11;
	s14 =	sshll.u32 s7, $0x8;
	s15 =	sshll.u32 s7, $0xB  }
0x8: {  	_ =	strace $0x80000047;
	s3 =	ssub.s32 $0x2, s2;
	s2 =	sshll.u32 s2, $0x15  }
0x9: {  	s0 =	sadd.s32 s0, s14;
	s14 =	simm.s32 $0x0;
	s4 =	sshrl.u32 s3, $0x1  }
0xa: {  	s2 =	sor.u32 s5, s2;
	[dreg:$0x4] =	wrdreg s0;
	s0 =	sadd.s32 s15, s6  }
0xb: {  	s3 =	ssub.s32 s3, s4;
	s5 =	sadd.s32 s1, s2;
	[dreg:$0x5] =	wrdreg s0  }
0xc: {  	s17 =	sadd.s32 $0x10, s5;
	s18 =	sadd.s32 $0x20, s5;
	s19 =	sadd.s32 $0x30, s5  }
0xd: {  	s20 =	sadd.s32 $0x40, s5;
	s21 =	sadd.s32 $0x50, s5;
	[dreg:$0x6] =	wrdreg s17  }
0xe: {  	s22 =	sadd.s32 $0x60, s5;
	s23 =	sadd.s32 $0x70, s5;
	[dreg:$0x7] =	wrdreg s18  }
0xf: {  	s24 =	sadd.s32 $0x8000, s5;
	s25 =	sadd.s32 $0x8010, s5;
	[dreg:$0x8] =	wrdreg s19  }
0x10: {  	s26 =	sadd.s32 $0x8020, s5;
	s28 =	sadd.s32 $0x10040, s5;
	[dreg:$0x9] =	wrdreg s20  }
0x11: {  	s29 =	sadd.s32 $0x10050, s5;
	s30 =	sadd.s32 $0x10060, s5;
	[dreg:$0xa] =	wrdreg s21  }
0x12: {  	s31 =	sadd.s32 $0x10070, s5;
	s0 =	sadd.s32 $0x18000, s5;
	[dreg:$0xb] =	wrdreg s22  }
0x13: {  	s1 =	sadd.s32 $0x18020, s5;
	s2 =	sadd.s32 $0x18030, s5;
	[dreg:$0xc] =	wrdreg s23  }
0x14: {  	s4 =	sadd.s32 $0x18040, s5;
	s6 =	sadd.s32 $0x18050, s5;
	[dreg:$0xd] =	wrdreg s24  }
0x15: {  	s7 =	sadd.s32 $0x18060, s5;
	s8 =	sadd.s32 $0x18070, s5;
	[dreg:$0xe] =	wrdreg s25  }
0x16: {  	[dreg:$0xf] =	wrdreg s26;
	s17 =	sadd.s32 $0x8030, s5;
	s18 =	sadd.s32 $0x8040, s5  }
0x17: {  	s19 =	sadd.s32 $0x8050, s5;
	s20 =	sadd.s32 $0x8060, s5;
	s21 =	sadd.s32 $0x8070, s5  }
0x18: {  	s22 =	sadd.s32 $0x10000, s5;
	s23 =	sadd.s32 $0x10010, s5;
	s24 =	sadd.s32 $0x10020, s5  }
0x19: {  	s25 =	smax.u32 s3, $0x1;
	s26 =	sadd.s32 $0x10030, s5;
	s3 =	sadd.s32 $0x18010, s5  }
.LBB2_1:
0x1a: {  	s15 =	rddreg [dreg:$0x4]  }
0x1b: {  	[tilespmem:s16], [sflag:$0x2] =	stream.linear.gather [hbm4b:s15+s16], $0x800, $0x38;
	[tilespmem:$0x9000] =	vst v63  }
0x1c: {  	_ =	swait.ge [sflag:s9], $0x800  }
0x1d: {  	[sflag:s9] =	ssyncset.done $0x0  }
0x1e: {  	s15 =	simm.s32 $0x0;
	s16 =	simm.s32 $0x40;
	[sflag:s9] =	ssyncadd.s32 $0xFFFFF800  }
.LBB2_2:
0x1f: {  	p0 =	sne.s32 s16, $0x1FC0;
	v0 =	vld [tilespmem:s15+$0x0];
	_ =	sdelay $0x4  }
0x20: {  	v0 =	vsub.f32 $0.0e+00, v0;
	_ =	sdelay $0x1  }
0x21: {  	v0 =	vmul.f32 $1.442695020e+00, v0;
	_ =	sdelay $0x1  }
0x22: {  	(erf) = vpow2.f32 v0;
	_ =	sdelay $0x8  }
0x23: {  	v0 =	vpop (erf)  }
0x24: {  	v0 =	vadd.f32 $1.000000000e+00, v0;
	_ =	sdelay $0x1  }
0x25: {  	(erf) = vrcp.f32 v0;
	_ =	sdelay $0x5  }
.Ltmp0:
0x26: {  	(pc) =	sbr.rel @p0 .LBB2_2-.Ltmp0, $3  }
0x27: {  	_ =	sdelay $0x1  }
0x28: {  	v0 =	vpop (erf)  }
0x29: {  	[tilespmem:s15+$0x0] =	vst v0;
	s15 =	sshra.s32 s16, $0x2;
	s16 =	sadd.s32 $0x40, s16  }
0x2a: {  	v0 =	vld [tilespmem:s15+$0x0];
	_ =	sdelay $0x4  }
0x2b: {  	v0 =	vsub.f32 $0.0e+00, v0;
	_ =	sdelay $0x1  }
0x2c: {  	v0 =	vmul.f32 $1.442695020e+00, v0;
	_ =	sdelay $0x1  }
0x2d: {  	(erf) = vpow2.f32 v0;
	_ =	sdelay $0x8  }
0x2e: {  	v0 =	vpop (erf)  }
0x2f: {  	v0 =	vadd.f32 $1.000000000e+00, v0;
	_ =	sdelay $0x1  }
0x30: {  	(erf) = vrcp.f32 v0;
	_ =	sdelay $0x8  }
0x31: {  	v0 =	vpop (erf)  }
0x32: {  	s16 =	simm.s32 $0x0;
	[tilespmem:s15+$0x0] =	vst v0;
	s15 =	rddreg [dreg:$0x5]  }
0x33: {  	[spmem:s15] =	stream.linear.scatter [tilespmem:s16], [sflag:$0x2], $0x800, $0x38;
	[tilespmem:$0x9000] =	vst v63  }
0x34: {  	_ =	swait.ge [sflag:s9], $0x800  }
0x35: {  	[sflag:s9] =	ssyncset.done $0x0  }
0x36: {  	[sflag:s9] =	ssyncadd.s32 $0xFFFFF800  }
0x37: {  	[bflag:$0x0] =	sbarrier.arrive $0xFFFF  }
0x38: {  	s15 =	rddreg [dreg:$0x2]  }
0x39: {  	[tilespmem:s10], [sflag:$0x2] =	stream.linear.gather [spmem:s15], $0x8000, $0x38;
	[tilespmem:$0x9000] =	vst v63  }
0x3a: {  	_ =	swait.ge [sflag:s9], $0x8000  }
0x3b: {  	[sflag:s9] =	ssyncset.done $0x0  }
0x3c: {  	[sflag:s9] =	ssyncadd.s32 $0xFFFF8000  }
0x3d: {  	[hbm4b:s5+s11] =	stream.strided.scatter [tilespmem:s10], [sflag:$0x1], $0x8000, s12, s11, $0x38;
	[tilespmem:$0x9000] =	vst v63  }
0x3e: {  	s15 =	rddreg [dreg:$0x6]  }
0x3f: {  	[hbm4b:s15+s11] =	stream.strided.scatter [tilespmem:s10], [sflag:$0x1], $0x8000, s12, s11, $0x38;
	[tilespmem:$0x9000] =	vst v63  }
0x40: {  	s15 =	rddreg [dreg:$0x7]  }
0x41: {  	[hbm4b:s15+s11] =	stream.strided.scatter [tilespmem:s10], [sflag:$0x1], $0x8000, s12, s11, $0x38;
	[tilespmem:$0x9000] =	vst v63  }
0x42: {  	s15 =	rddreg [dreg:$0x8]  }
0x43: {  	[hbm4b:s15+s11] =	stream.strided.scatter [tilespmem:s10], [sflag:$0x1], $0x8000, s12, s11, $0x38;
	[tilespmem:$0x9000] =	vst v63  }
0x44: {  	s15 =	rddreg [dreg:$0x9]  }
0x45: {  	[hbm4b:s15+s11] =	stream.strided.scatter [tilespmem:s10], [sflag:$0x1], $0x8000, s12, s11, $0x38;
	[tilespmem:$0x9000] =	vst v63  }
0x46: {  	s15 =	rddreg [dreg:$0xa]  }
0x47: {  	[hbm4b:s15+s11] =	stream.strided.scatter [tilespmem:s10], [sflag:$0x1], $0x8000, s12, s11, $0x38;
	[tilespmem:$0x9000] =	vst v63  }
0x48: {  	s15 =	rddreg [dreg:$0xb]  }
0x49: {  	[hbm4b:s15+s11] =	stream.strided.scatter [tilespmem:s10], [sflag:$0x1], $0x8000, s12, s11, $0x38;
	[tilespmem:$0x9000] =	vst v63  }
0x4a: {  	s15 =	rddreg [dreg:$0xc]  }
0x4b: {  	[hbm4b:s15+s11] =	stream.strided.scatter [tilespmem:s10], [sflag:$0x1], $0x8000, s12, s11, $0x38;
	[tilespmem:$0x9000] =	vst v63  }
0x4c: {  	s15 =	rddreg [dreg:$0xd]  }
0x4d: {  	[hbm4b:s15+s11] =	stream.strided.scatter [tilespmem:s10], [sflag:$0x1], $0x8000, s12, s11, $0x38;
	[tilespmem:$0x9000] =	vst v63  }
0x4e: {  	s15 =	rddreg [dreg:$0xe]  }
0x4f: {  	[hbm4b:s15+s11] =	stream.strided.scatter [tilespmem:s10], [sflag:$0x1], $0x8000, s12, s11, $0x38;
	[tilespmem:$0x9000] =	vst v63  }
0x50: {  	s15 =	rddreg [dreg:$0xf]  }
0x51: {  	[hbm4b:s15+s11] =	stream.strided.scatter [tilespmem:s10], [sflag:$0x1], $0x8000, s12, s11, $0x38;
	[tilespmem:$0x9000] =	vst v63  }
0x52: {  	_ = 	snop  }
0x53: {  	[hbm4b:s17+s11] =	stream.strided.scatter [tilespmem:s10], [sflag:$0x1], $0x8000, s12, s11, $0x38;
	[tilespmem:$0x9000] =	vst v63  }
0x54: {  	_ = 	snop  }
0x55: {  	[hbm4b:s18+s11] =	stream.strided.scatter [tilespmem:s10], [sflag:$0x1], $0x8000, s12, s11, $0x38;
	[tilespmem:$0x9000] =	vst v63  }
0x56: {  	_ = 	snop  }
0x57: {  	[hbm4b:s19+s11] =	stream.strided.scatter [tilespmem:s10], [sflag:$0x1], $0x8000, s12, s11, $0x38;
	[tilespmem:$0x9000] =	vst v63  }
0x58: {  	_ = 	snop  }
0x59: {  	[hbm4b:s20+s11] =	stream.strided.scatter [tilespmem:s10], [sflag:$0x1], $0x8000, s12, s11, $0x38;
	[tilespmem:$0x9000] =	vst v63  }
0x5a: {  	_ = 	snop  }
0x5b: {  	[hbm4b:s21+s11] =	stream.strided.scatter [tilespmem:s10], [sflag:$0x1], $0x8000, s12, s11, $0x38;
	[tilespmem:$0x9000] =	vst v63  }
0x5c: {  	_ = 	snop  }
0x5d: {  	[hbm4b:s22+s11] =	stream.strided.scatter [tilespmem:s10], [sflag:$0x1], $0x8000, s12, s11, $0x38;
	[tilespmem:$0x9000] =	vst v63  }
0x5e: {  	_ = 	snop  }
0x5f: {  	[hbm4b:s23+s11] =	stream.strided.scatter [tilespmem:s10], [sflag:$0x1], $0x8000, s12, s11, $0x38;
	[tilespmem:$0x9000] =	vst v63  }
0x60: {  	_ = 	snop  }
0x61: {  	[hbm4b:s24+s11] =	stream.strided.scatter [tilespmem:s10], [sflag:$0x1], $0x8000, s12, s11, $0x38;
	[tilespmem:$0x9000] =	vst v63  }
0x62: {  	_ = 	snop  }
0x63: {  	[hbm4b:s26+s11] =	stream.strided.scatter [tilespmem:s10], [sflag:$0x1], $0x8000, s12, s11, $0x38;
	[tilespmem:$0x9000] =	vst v63  }
0x64: {  	_ = 	snop  }
0x65: {  	[hbm4b:s28+s11] =	stream.strided.scatter [tilespmem:s10], [sflag:$0x1], $0x8000, s12, s11, $0x38;
	[tilespmem:$0x9000] =	vst v63  }
0x66: {  	_ = 	snop  }
0x67: {  	[hbm4b:s29+s11] =	stream.strided.scatter [tilespmem:s10], [sflag:$0x1], $0x8000, s12, s11, $0x38;
	[tilespmem:$0x9000] =	vst v63  }
0x68: {  	_ = 	snop  }
0x69: {  	[hbm4b:s30+s11] =	stream.strided.scatter [tilespmem:s10], [sflag:$0x1], $0x8000, s12, s11, $0x38;
	[tilespmem:$0x9000] =	vst v63  }
0x6a: {  	_ = 	snop  }
0x6b: {  	[hbm4b:s31+s11] =	stream.strided.scatter [tilespmem:s10], [sflag:$0x1], $0x8000, s12, s11, $0x38;
	[tilespmem:$0x9000] =	vst v63  }
0x6c: {  	_ = 	snop  }
0x6d: {  	[hbm4b:s0+s11] =	stream.strided.scatter [tilespmem:s10], [sflag:$0x1], $0x8000, s12, s11, $0x38;
	[tilespmem:$0x9000] =	vst v63  }
0x6e: {  	_ = 	snop  }
0x6f: {  	[hbm4b:s3+s11] =	stream.strided.scatter [tilespmem:s10], [sflag:$0x1], $0x8000, s12, s11, $0x38;
	[tilespmem:$0x9000] =	vst v63  }
0x70: {  	_ = 	snop  }
0x71: {  	[hbm4b:s1+s11] =	stream.strided.scatter [tilespmem:s10], [sflag:$0x1], $0x8000, s12, s11, $0x38;
	[tilespmem:$0x9000] =	vst v63  }
0x72: {  	_ = 	snop  }
0x73: {  	[hbm4b:s2+s11] =	stream.strided.scatter [tilespmem:s10], [sflag:$0x1], $0x8000, s12, s11, $0x38;
	[tilespmem:$0x9000] =	vst v63  }
0x74: {  	_ = 	snop  }
0x75: {  	[hbm4b:s4+s11] =	stream.strided.scatter [tilespmem:s10], [sflag:$0x1], $0x8000, s12, s11, $0x38;
	[tilespmem:$0x9000] =	vst v63  }
0x76: {  	_ = 	snop  }
0x77: {  	[hbm4b:s6+s11] =	stream.strided.scatter [tilespmem:s10], [sflag:$0x1], $0x8000, s12, s11, $0x38;
	[tilespmem:$0x9000] =	vst v63  }
0x78: {  	_ = 	snop  }
0x79: {  	[hbm4b:s7+s11] =	stream.strided.scatter [tilespmem:s10], [sflag:$0x1], $0x8000, s12, s11, $0x38;
	[tilespmem:$0x9000] =	vst v63  }
0x7a: {  	_ = 	snop  }
0x7b: {  	[hbm4b:s8+s11] =	stream.strided.scatter [tilespmem:s10], [sflag:$0x1], $0x8000, s12, s11, $0x38;
	[tilespmem:$0x9000] =	vst v63  }
0x7c: {  	_ =	swait.ge [sflag:s13], $0x8000  }
0x7d: {  	[sflag:s13] =	ssyncset.done $0x0  }
0x7e: {  	[sflag:s13] =	ssyncadd.s32 $0xFFFF8000  }
0x7f: {  	_ =	swait.ge [sflag:s13], $0x8000  }
0x80: {  	[sflag:s13] =	ssyncset.done $0x0  }
0x81: {  	[sflag:s13] =	ssyncadd.s32 $0xFFFF8000  }
0x82: {  	_ =	swait.ge [sflag:s13], $0x8000  }
0x83: {  	[sflag:s13] =	ssyncset.done $0x0  }
0x84: {  	[sflag:s13] =	ssyncadd.s32 $0xFFFF8000  }
0x85: {  	_ =	swait.ge [sflag:s13], $0x8000  }
0x86: {  	[sflag:s13] =	ssyncset.done $0x0  }
0x87: {  	[sflag:s13] =	ssyncadd.s32 $0xFFFF8000  }
0x88: {  	_ =	swait.ge [sflag:s13], $0x8000  }
0x89: {  	[sflag:s13] =	ssyncset.done $0x0  }
0x8a: {  	[sflag:s13] =	ssyncadd.s32 $0xFFFF8000  }
0x8b: {  	_ =	swait.ge [sflag:s13], $0x8000  }
0x8c: {  	[sflag:s13] =	ssyncset.done $0x0  }
0x8d: {  	[sflag:s13] =	ssyncadd.s32 $0xFFFF8000  }
0x8e: {  	_ =	swait.ge [sflag:s13], $0x8000  }
0x8f: {  	[sflag:s13] =	ssyncset.done $0x0  }
0x90: {  	[sflag:s13] =	ssyncadd.s32 $0xFFFF8000  }
0x91: {  	_ =	swait.ge [sflag:s13], $0x8000  }
0x92: {  	[sflag:s13] =	ssyncset.done $0x0  }
0x93: {  	[sflag:s13] =	ssyncadd.s32 $0xFFFF8000  }
0x94: {  	_ =	swait.ge [sflag:s13], $0x8000  }
0x95: {  	[sflag:s13] =	ssyncset.done $0x0  }
0x96: {  	[sflag:s13] =	ssyncadd.s32 $0xFFFF8000  }
0x97: {  	_ =	swait.ge [sflag:s13], $0x8000  }
0x98: {  	[sflag:s13] =	ssyncset.done $0x0  }
0x99: {  	[sflag:s13] =	ssyncadd.s32 $0xFFFF8000  }
0x9a: {  	_ =	swait.ge [sflag:s13], $0x8000  }
0x9b: {  	[sflag:s13] =	ssyncset.done $0x0  }
0x9c: {  	[sflag:s13] =	ssyncadd.s32 $0xFFFF8000  }
0x9d: {  	_ =	swait.ge [sflag:s13], $0x8000  }
0x9e: {  	[sflag:s13] =	ssyncset.done $0x0  }
0x9f: {  	[sflag:s13] =	ssyncadd.s32 $0xFFFF8000  }
0xa0: {  	_ =	swait.ge [sflag:s13], $0x8000  }
0xa1: {  	[sflag:s13] =	ssyncset.done $0x0  }
0xa2: {  	[sflag:s13] =	ssyncadd.s32 $0xFFFF8000  }
0xa3: {  	_ =	swait.ge [sflag:s13], $0x8000  }
0xa4: {  	[sflag:s13] =	ssyncset.done $0x0  }
0xa5: {  	[sflag:s13] =	ssyncadd.s32 $0xFFFF8000  }
0xa6: {  	_ =	swait.ge [sflag:s13], $0x8000  }
0xa7: {  	[sflag:s13] =	ssyncset.done $0x0  }
0xa8: {  	[sflag:s13] =	ssyncadd.s32 $0xFFFF8000  }
0xa9: {  	_ =	swait.ge [sflag:s13], $0x8000  }
0xaa: {  	[sflag:s13] =	ssyncset.done $0x0  }
0xab: {  	[sflag:s13] =	ssyncadd.s32 $0xFFFF8000  }
0xac: {  	_ =	swait.ge [sflag:s13], $0x8000  }
0xad: {  	[sflag:s13] =	ssyncset.done $0x0  }
0xae: {  	[sflag:s13] =	ssyncadd.s32 $0xFFFF8000  }
0xaf: {  	_ =	swait.ge [sflag:s13], $0x8000  }
0xb0: {  	[sflag:s13] =	ssyncset.done $0x0  }
0xb1: {  	[sflag:s13] =	ssyncadd.s32 $0xFFFF8000  }
0xb2: {  	_ =	swait.ge [sflag:s13], $0x8000  }
0xb3: {  	[sflag:s13] =	ssyncset.done $0x0  }
0xb4: {  	[sflag:s13] =	ssyncadd.s32 $0xFFFF8000  }
0xb5: {  	_ =	swait.ge [sflag:s13], $0x8000  }
0xb6: {  	[sflag:s13] =	ssyncset.done $0x0  }
0xb7: {  	[sflag:s13] =	ssyncadd.s32 $0xFFFF8000  }
0xb8: {  	_ =	swait.ge [sflag:s13], $0x8000  }
0xb9: {  	[sflag:s13] =	ssyncset.done $0x0  }
0xba: {  	[sflag:s13] =	ssyncadd.s32 $0xFFFF8000  }
0xbb: {  	_ =	swait.ge [sflag:s13], $0x8000  }
0xbc: {  	[sflag:s13] =	ssyncset.done $0x0  }
0xbd: {  	[sflag:s13] =	ssyncadd.s32 $0xFFFF8000  }
0xbe: {  	_ =	swait.ge [sflag:s13], $0x8000  }
0xbf: {  	[sflag:s13] =	ssyncset.done $0x0  }
0xc0: {  	[sflag:s13] =	ssyncadd.s32 $0xFFFF8000  }
0xc1: {  	_ =	swait.ge [sflag:s13], $0x8000  }
0xc2: {  	[sflag:s13] =	ssyncset.done $0x0  }
0xc3: {  	[sflag:s13] =	ssyncadd.s32 $0xFFFF8000  }
0xc4: {  	_ =	swait.ge [sflag:s13], $0x8000  }
0xc5: {  	[sflag:s13] =	ssyncset.done $0x0  }
0xc6: {  	[sflag:s13] =	ssyncadd.s32 $0xFFFF8000  }
0xc7: {  	_ =	swait.ge [sflag:s13], $0x8000  }
0xc8: {  	[sflag:s13] =	ssyncset.done $0x0  }
0xc9: {  	[sflag:s13] =	ssyncadd.s32 $0xFFFF8000  }
0xca: {  	_ =	swait.ge [sflag:s13], $0x8000  }
0xcb: {  	[sflag:s13] =	ssyncset.done $0x0  }
0xcc: {  	[sflag:s13] =	ssyncadd.s32 $0xFFFF8000  }
0xcd: {  	_ =	swait.ge [sflag:s13], $0x8000  }
0xce: {  	[sflag:s13] =	ssyncset.done $0x0  }
0xcf: {  	[sflag:s13] =	ssyncadd.s32 $0xFFFF8000  }
0xd0: {  	_ =	swait.ge [sflag:s13], $0x8000  }
0xd1: {  	[sflag:s13] =	ssyncset.done $0x0  }
0xd2: {  	[sflag:s13] =	ssyncadd.s32 $0xFFFF8000  }
0xd3: {  	_ =	swait.ge [sflag:s13], $0x8000  }
0xd4: {  	[sflag:s13] =	ssyncset.done $0x0  }
0xd5: {  	s14 =	sadd.s32 $0x1, s14;
	[sflag:s13] =	ssyncadd.s32 $0xFFFF8000  }
0xd6: {  	p0 =	sne.s32 s14, s25;
	_ =	swait.ge [sflag:s13], $0x8000  }
.Ltmp1:
0xd7: {  	[sflag:s13] =	ssyncset.done $0x0;
	(pc) =	sbr.rel @p0 .LBB2_1-.Ltmp1, $4  }
0xd8: {  	[sflag:s13] =	ssyncadd.s32 $0xFFFF8000  }
0xd9: {  	_ =	swait.ge [sflag:s13], $0x8000  }
0xda: {  	[sflag:s13] =	ssyncset.done $0x0  }
0xdb: {  	[sflag:s13] =	ssyncadd.s32 $0xFFFF8000  }
0xdc: {  	_ =	sfence.sel $0x180000  }
0xdd: {  	[bflag:$0x0] =	sbarrier.arrive $0xFFFF  }
0xde: {  	_ =	strace $0x90000047  }
0xdf: {  	s0 =	stileid.u32;
	[bflag:$0x2] =	sbarrier.arrive $0xFFFF  }
0xe0: {  	p0 =	sne.s32 s0, $0x0;
	s0 =	rddreg [dreg:$0x3]  }
0xe1: {  	s0 =	sadd.s32 @!p0 $0x100000, s0  }
0xe2: {  	[sflag:s0] =	ssyncadd.tile.s32 @!p0 $0x1;
	_ =	shalt  }
.Lfunc_end2:
_tile_overlayer_lowered:
.L_overlay_start_2:
0xe3: {  	(tag) =	ssettag $0x2  }
0xe4: {  	s0 =	rddreg [dreg:$0x0];
	s2 =	stileid.u32  }
0xe5: {  	s1 =	rddreg [dreg:$0x1];
	p0 =	sne.s32 s2, $0x0  }
0xe6: {  	s3 =	rddreg [dreg:$0x2];
	[bflag:$0x3] =	sbarrier.arrive $0xFFFF;
	s2 =	simm.s32 @!p0 $0x1C02  }
0xe7: {  	[timem:s3], [sflag:s2] =	dma.local @!p0 [hbm:s0], s1  }
0xe8: {  	s0 =	simm.s32 @!p0 $0x2  }
0xe9: {  	_ =	swait.ge @!p0 [sflag:s0], s1  }
0xea: {  	s1 =	ssub.s32 @!p0 $0x0, s1;
	[sflag:s0] =	ssyncset.done @!p0 $0x0  }
0xeb: {  	[sflag:s0] =	ssyncadd.s32 @!p0 s1  }
0xec: {  	[bflag:$0x3] =	sbarrier.arrive $0xFFFF  }
0xed: {  	_ =	shalt  }

</sc_bundles>
